<compile_context>
chip_gen: v7x
topology: tpu7x:2x2x1
jax: 0.10.2.dev20260603
libtpu: 0.0.44.dev20260713+nightly
codegen_flags: <defaults>
</compile_context>

<pallas_src>
import functools
import math

import jax
import jax.numpy as jnp
import numpy as np
from jax import lax
from jax.experimental import pallas as pl
from jax.experimental.pallas import tpu as pltpu
from jax.experimental.pallas import tpu_sc as plsc

_LS1 = [0, 1, 2]
_LS2 = [0, 1, 2]
_DIM1 = sum(2 * l + 1 for l in _LS1)
_DIM2 = sum(2 * l + 1 for l in _LS2)
_ODIM = _DIM1 * _DIM2


def _wigner3j(l1, l2, l3):
    f = math.factorial
    W = np.zeros((2 * l1 + 1, 2 * l2 + 1, 2 * l3 + 1), dtype=np.float64)
    pref = math.sqrt(
        f(l1 + l2 - l3) * f(l1 - l2 + l3) * f(-l1 + l2 + l3) / f(l1 + l2 + l3 + 1)
    )
    for m1 in range(-l1, l1 + 1):
        for m2 in range(-l2, l2 + 1):
            m3 = -(m1 + m2)
            if abs(m3) > l3:
                continue
            tmin = max(0, l2 - l3 - m1, l1 - l3 + m2)
            tmax = min(l1 + l2 - l3, l1 - m1, l2 + m2)
            s = 0.0
            for t in range(tmin, tmax + 1):
                s += ((-1) ** t) / (
                    f(t) * f(l3 - l2 + t + m1) * f(l3 - l1 + t - m2)
                    * f(l1 + l2 - l3 - t) * f(l1 - t - m1) * f(l2 - t + m2)
                )
            W[m1 + l1, m2 + l2, m3 + l3] = (
                ((-1) ** (l1 - l2 - m3)) * pref
                * math.sqrt(f(l1 + m1) * f(l1 - m1) * f(l2 + m2) * f(l2 - m2)
                            * f(l3 + m3) * f(l3 - m3)) * s
            )
    return W


def _build_columns():
    layout = {}
    i1off = 0
    for l1 in _LS1:
        i2off = 0
        for l2 in _LS2:
            for l3 in range(abs(l1 - l2), l1 + l2 + 1):
                layout.setdefault(l3, []).append((l1, l2, i1off, i2off))
            i2off += 2 * l2 + 1
        i1off += 2 * l1 + 1
    lmax2 = max(_LS2)
    cols = {}
    colkey = {}
    row_offset = 0
    for l3 in sorted(layout.keys()):
        for (l1, l2, o1, o2) in sorted(layout[l3], key=lambda x: x[0] * lmax2 + x[1]):
            C = _wigner3j(l1, l2, l3)
            scale = math.sqrt(2 * l3 + 1)
            for m3 in range(2 * l3 + 1):
                o = m3 + row_offset
                terms = []
                for m2 in range(2 * l2 + 1):
                    for m1 in range(2 * l1 + 1):
                        c = C[m1, m2, m3]
                        if c != 0.0:
                            terms.append((m1 + o1, m2 + o2, np.float32(c * scale)))
                if terms:
                    cols[o] = terms
                    colkey[o] = (l1, l2, l3, m3)
            row_offset += 2 * l3 + 1
    order = sorted(cols.keys(), key=lambda o: colkey[o])
    return [(o, cols[o]) for o in order]


_COLUMNS = _build_columns()

_NC = 2
_NS = 16
_NW = _NC * _NS
_LANES = 16
_CHUNK = 800


def _tile_body(n_rows, in1_hbm, in2_hbm, out_hbm, a1_v, a2_v, o_v):
    rows_per_w = n_rows // _NW
    n_chunks = rows_per_w // _CHUNK
    n_groups = _CHUNK // _LANES
    wid = lax.axis_index("s") * _NC + lax.axis_index("c")
    base = wid * rows_per_w
    lanes = lax.iota(jnp.int32, 16)
    lanes1 = lanes * _DIM1
    lanes2 = lanes * _DIM2
    laneso = lanes * _ODIM

    def group_body(g, _):
        r1 = lanes1 + g * (_LANES * _DIM1)
        r2 = lanes2 + g * (_LANES * _DIM2)
        ro = laneso + g * (_LANES * _ODIM)
        a1 = [plsc.load_gather(a1_v, [r1 + j]) for j in range(_DIM1)]
        a2 = [plsc.load_gather(a2_v, [r2 + j]) for j in range(_DIM2)]
        prod = {}
        for o, terms in _COLUMNS:
            acc = None
            for (i1, i2, c) in terms:
                p = prod.get((i1, i2))
                if p is None:
                    p = a1[i1] * a2[i2]
                    prod[(i1, i2)] = p
                t = p * c
                acc = t if acc is None else acc + t
            plsc.store_scatter(o_v, [ro + o], acc)
        return 0

    def chunk_body(ci, _):
        row0 = base + ci * _CHUNK
        pltpu.sync_copy(in1_hbm.at[pl.ds(row0 * _DIM1, _CHUNK * _DIM1)], a1_v)
        pltpu.sync_copy(in2_hbm.at[pl.ds(row0 * _DIM2, _CHUNK * _DIM2)], a2_v)
        lax.fori_loop(0, n_groups, group_body, 0)
        pltpu.sync_copy(o_v, out_hbm.at[pl.ds(row0 * _ODIM, _CHUNK * _ODIM)])
        return 0

    lax.fori_loop(0, n_chunks, chunk_body, 0)


def kernel(in1, in2):
    n = in1.shape[0]
    assert n % (_NW * _CHUNK) == 0
    run = pl.kernel(
        functools.partial(_tile_body, n),
        out_type=jax.ShapeDtypeStruct((n * _ODIM,), jnp.float32),
        mesh=plsc.VectorSubcoreMesh(
            core_axis_name="c", subcore_axis_name="s",
            num_cores=_NC, num_subcores=_NS,
        ),
        scratch_types=[
            pltpu.VMEM((_CHUNK * _DIM1,), jnp.float32),
            pltpu.VMEM((_CHUNK * _DIM2,), jnp.float32),
            pltpu.VMEM((_CHUNK * _ODIM,), jnp.float32),
        ],
        compiler_params=pltpu.CompilerParams(needs_layout_passes=False),
    )
    return run(in1.reshape(n * _DIM1), in2.reshape(n * _DIM2)).reshape(n, _ODIM)

# --- scband reference (transcript-rebuilt; emitter-appended) ---
"""Pipeline reference for scband-cuda-tensor-product-18674517803223 (READ-ONLY COPY).

The authoritative reference and input builder live on the scoring server;
editing this copy changes nothing except your own understanding.
"""

import jax, jax.numpy as jnp
import numpy as np
import math


def _wigner_3j(l1, l2, l3):
    f = math.factorial
    W = np.zeros((2 * l1 + 1, 2 * l2 + 1, 2 * l3 + 1), dtype=np.float64)
    pref = math.sqrt(f(l1 + l2 - l3) * f(l1 - l2 + l3) * f(-l1 + l2 + l3) / f(l1 + l2 + l3 + 1))
    for m1 in range(-l1, l1 + 1):
        for m2 in range(-l2, l2 + 1):
            m3 = -(m1 + m2)
            if abs(m3) > l3:
                continue
            tmin = max(0, l2 - l3 - m1, l1 - l3 + m2)
            tmax = min(l1 + l2 - l3, l1 - m1, l2 + m2)
            s = 0.0
            for t in range(tmin, tmax + 1):
                s += ((-1) ** t) / (f(t) * f(l3 - l2 + t + m1) * f(l3 - l1 + t - m2) * f(l1 + l2 - l3 - t) * f(l1 - t - m1) * f(l2 - t + m2))
            val = ((-1) ** (l1 - l2 - m3)) * pref * math.sqrt(f(l1 + m1) * f(l1 - m1) * f(l2 + m2) * f(l2 - m2) * f(l3 + m3) * f(l3 - m3)) * s
            W[m1 + l1, m2 + l2, m3 + l3] = val
    return W


def _build(ls1, ls2):
    cb_matrix_layout = {}
    idx_in1 = 0
    for l1 in ls1:
        idx_in2 = 0
        for l2 in ls2:
            for l3 in range(abs(l1 - l2), l1 + l2 + 1):
                cb_matrix_layout.setdefault(l3, []).append((l1, l2, idx_in1, idx_in2))
            idx_in2 += 2 * l2 + 1
        idx_in1 += 2 * l1 + 1
    l3s = sorted(cb_matrix_layout.keys())
    lmax2 = max(ls2)
    row_offset = 0
    in1_idx, in2_idx, out_idx, vals = [], [], [], []
    for l3 in l3s:
        mults = sorted(cb_matrix_layout[l3], key=lambda x: x[0] * lmax2 + x[1])
        for (l1, l2, o1, o2) in mults:
            C = _wigner_3j(l1, l2, l3)
            for m3 in range(2 * l3 + 1):
                for m2 in range(2 * l2 + 1):
                    for m1 in range(2 * l1 + 1):
                        c = C[m1, m2, m3]
                        if c == 0:
                            continue
                        in1_idx.append(m1 + o1)
                        in2_idx.append(m2 + o2)
                        out_idx.append(m3 + row_offset)
                        vals.append(c * math.sqrt(2 * l3 + 1))
            row_offset += 2 * l3 + 1
    return (np.asarray(in1_idx, dtype=np.int32), np.asarray(in2_idx, dtype=np.int32), np.asarray(out_idx, dtype=np.int32), np.asarray(vals, dtype=np.float32))


LS1 = [0, 1, 2]
LS2 = [0, 1, 2]
_IN1, _IN2, _OUT, _VALS = _build(LS1, LS2)
DIM1 = sum(2 * l + 1 for l in LS1)
DIM2 = sum(2 * l + 1 for l in LS2)
N = 640000


def setup_inputs(seed: int = 0) -> dict:
    key = jax.random.key(seed)
    k1, k2 = jax.random.split(key)
    in1 = jax.random.normal(k1, (N, DIM1), dtype=jnp.float32)
    in2 = jax.random.normal(k2, (N, DIM2), dtype=jnp.float32)
    return {"in1": in1, "in2": in2}


def reference(in1, in2):
    idx1 = jnp.asarray(_IN1)
    idx2 = jnp.asarray(_IN2)
    idxo = jnp.asarray(_OUT)
    cb = jnp.asarray(_VALS)
    gathered = in1[:, idx1] * in2[:, idx2] * cb[None, :]
    out = jnp.zeros((in1.shape[0], DIM1 * DIM2), dtype=in1.dtype)
    out = out.at[:, idxo].add(gathered)
    return out

if __name__ == "__main__":
    import jax
    _d = setup_inputs()
    print(jax.jit(kernel)(*tuple(_d.values())))

</pallas_src>

<mosaic_0001>
#map = affine_map<(d0, d1) -> (0)>
module attributes {stable_mosaic.version = 14 : i64} {
  func.func @_tile_body(%arg0: i32, %arg1: i32, %arg2: memref<5760000xf32, #tpu.memory_space<hbm>>, %arg3: memref<5760000xf32, #tpu.memory_space<hbm>>, %arg4: memref<51840000xf32, #tpu.memory_space<hbm>>, %arg5: memref<7200xf32, #tpu.memory_space<vmem>>, %arg6: memref<7200xf32, #tpu.memory_space<vmem>>, %arg7: memref<64800xf32, #tpu.memory_space<vmem>>) attributes {dimension_semantics = [#tpu.dimension_semantics<core_parallel>, #tpu.dimension_semantics<subcore_parallel>], iteration_bounds = array<i64: 2, 16>, scalar_prefetch = 0 : i64, scratch_operands = 3 : i64, tpu.core_type = #tpu.core_type<sc_vector_subcore>, window_params = [{transform_indices = #map}, {transform_indices = #map}, {transform_indices = #map}]} {
    %mul3A = arith.constant 2 : i32
    %mul3A_0 = arith.muli %arg1, %mul3A : i32
    %add3A = arith.addi %mul3A_0, %arg0 : i32
    %mul3A_1 = arith.constant 20000 : i32
    %mul3A_2 = arith.muli %add3A, %mul3A_1 : i32
    %iota3A = tpu.iota {dimensions = array<i32: 0>} : vector<16xi32>
    %mul3A_3 = arith.constant 9 : i32
    %mul3A_4 = vector.broadcast %mul3A_3 : i32 to vector<16xi32>
    %mul3A_5 = arith.muli %iota3A, %mul3A_4 : vector<16xi32>
    %mul3A_6 = arith.constant 9 : i32
    %mul3A_7 = vector.broadcast %mul3A_6 : i32 to vector<16xi32>
    %mul3A_8 = arith.muli %iota3A, %mul3A_7 : vector<16xi32>
    %mul3A_9 = arith.constant 81 : i32
    %mul3A_10 = vector.broadcast %mul3A_9 : i32 to vector<16xi32>
    %mul3A_11 = arith.muli %iota3A, %mul3A_10 : vector<16xi32>
    %scan3A = arith.constant 0 : i32
    %scan3A_12 = arith.constant 0 : i32
    %scan3A_13 = arith.constant 25 : i32
    %scan3A_14 = arith.addi %scan3A_12, %scan3A_13 : i32
    %scan3A_15 = arith.constant 1 : i32
    %scan3A_16 = scf.for %scan3A_18 = %scan3A_12 to %scan3A_14 step %scan3A_15 iter_args(%scan3A_19 = %scan3A) -> (i32)  : i32 {
      %mul3A_20 = arith.constant 800 : i32
      %mul3A_21 = arith.muli %scan3A_18, %mul3A_20 : i32
      %add3A_22 = arith.addi %mul3A_2, %mul3A_21 : i32
      %mul3A_23 = arith.constant 9 : i32
      %mul3A_24 = arith.muli %add3A_22, %mul3A_23 : i32
      "tpu.region"() ({
        %run_scoped3A = tpu.sem_alloc : memref<!tpu.dma_semaphore, #tpu.memory_space<semaphore_mem>>
        %dma_start3A = tpu.memref_slice %arg2[%mul3A_24] : memref<5760000xf32, #tpu.memory_space<hbm>> -> memref<7200xf32, #tpu.memory_space<hbm>>
        %dma_start3A_37 = tpu.memref_slice %arg2[%mul3A_24] : memref<5760000xf32, #tpu.memory_space<hbm>> -> memref<7200xf32, #tpu.memory_space<hbm>>
        tpu.enqueue_dma source(%dma_start3A_37 : memref<7200xf32, #tpu.memory_space<hbm>>) target(%arg5 : memref<7200xf32, #tpu.memory_space<vmem>>) target_semaphore(%run_scoped3A : memref<!tpu.dma_semaphore, #tpu.memory_space<semaphore_mem>>)
        %dma_wait3A = tpu.memref_slice %arg2[%mul3A_24] : memref<5760000xf32, #tpu.memory_space<hbm>> -> memref<7200xf32, #tpu.memory_space<hbm>>
        %dma_wait3A_38 = tpu.memref_slice %arg2[%mul3A_24] : memref<5760000xf32, #tpu.memory_space<hbm>> -> memref<7200xf32, #tpu.memory_space<hbm>>
        tpu.wait_dma2 semaphore(%run_scoped3A : memref<!tpu.dma_semaphore, #tpu.memory_space<semaphore_mem>>) src(%dma_wait3A_38 : memref<7200xf32, #tpu.memory_space<hbm>>) dst(%arg5 : memref<7200xf32, #tpu.memory_space<vmem>>)
        tpu.yield
      }) : () -> ()
      %mul3A_25 = arith.constant 9 : i32
      %mul3A_26 = arith.muli %add3A_22, %mul3A_25 : i32
      "tpu.region"() ({
        %run_scoped3A = tpu.sem_alloc : memref<!tpu.dma_semaphore, #tpu.memory_space<semaphore_mem>>
        %dma_start3A = tpu.memref_slice %arg3[%mul3A_26] : memref<5760000xf32, #tpu.memory_space<hbm>> -> memref<7200xf32, #tpu.memory_space<hbm>>
        %dma_start3A_37 = tpu.memref_slice %arg3[%mul3A_26] : memref<5760000xf32, #tpu.memory_space<hbm>> -> memref<7200xf32, #tpu.memory_space<hbm>>
        tpu.enqueue_dma source(%dma_start3A_37 : memref<7200xf32, #tpu.memory_space<hbm>>) target(%arg6 : memref<7200xf32, #tpu.memory_space<vmem>>) target_semaphore(%run_scoped3A : memref<!tpu.dma_semaphore, #tpu.memory_space<semaphore_mem>>)
        %dma_wait3A = tpu.memref_slice %arg3[%mul3A_26] : memref<5760000xf32, #tpu.memory_space<hbm>> -> memref<7200xf32, #tpu.memory_space<hbm>>
        %dma_wait3A_38 = tpu.memref_slice %arg3[%mul3A_26] : memref<5760000xf32, #tpu.memory_space<hbm>> -> memref<7200xf32, #tpu.memory_space<hbm>>
        tpu.wait_dma2 semaphore(%run_scoped3A : memref<!tpu.dma_semaphore, #tpu.memory_space<semaphore_mem>>) src(%dma_wait3A_38 : memref<7200xf32, #tpu.memory_space<hbm>>) dst(%arg6 : memref<7200xf32, #tpu.memory_space<vmem>>)
        tpu.yield
      }) : () -> ()
      %scan3A_27 = arith.constant 0 : i32
      %scan3A_28 = arith.constant 0 : i32
      %scan3A_29 = arith.constant 50 : i32
      %scan3A_30 = arith.addi %scan3A_28, %scan3A_29 : i32
      %scan3A_31 = arith.constant 1 : i32
      %scan3A_32 = scf.for %scan3A_37 = %scan3A_28 to %scan3A_30 step %scan3A_31 iter_args(%scan3A_38 = %scan3A_27) -> (i32)  : i32 {
        %mul3A_39 = arith.constant 144 : i32
        %mul3A_40 = arith.muli %scan3A_37, %mul3A_39 : i32
        %add3A_41 = vector.broadcast %mul3A_40 : i32 to vector<16xi32>
        %add3A_42 = arith.addi %mul3A_5, %add3A_41 : vector<16xi32>
        %mul3A_43 = arith.constant 144 : i32
        %mul3A_44 = arith.muli %scan3A_37, %mul3A_43 : i32
        %add3A_45 = vector.broadcast %mul3A_44 : i32 to vector<16xi32>
        %add3A_46 = arith.addi %mul3A_8, %add3A_45 : vector<16xi32>
        %mul3A_47 = arith.constant 1296 : i32
        %mul3A_48 = arith.muli %scan3A_37, %mul3A_47 : i32
        %add3A_49 = vector.broadcast %mul3A_48 : i32 to vector<16xi32>
        %add3A_50 = arith.addi %mul3A_11, %add3A_49 : vector<16xi32>
        %add3A_51 = arith.constant 0 : i32
        %add3A_52 = vector.broadcast %add3A_51 : i32 to vector<16xi32>
        %add3A_53 = arith.addi %add3A_42, %add3A_52 : vector<16xi32>
        %gather3A = tpu.vector_load_idx %arg5[%add3A_53] : memref<7200xf32, #tpu.memory_space<vmem>>[vector<16xi32>], vector<16xf32>,
        %add3A_54 = arith.constant 1 : i32
        %add3A_55 = vector.broadcast %add3A_54 : i32 to vector<16xi32>
        %add3A_56 = arith.addi %add3A_42, %add3A_55 : vector<16xi32>
        %gather3A_57 = tpu.vector_load_idx %arg5[%add3A_56] : memref<7200xf32, #tpu.memory_space<vmem>>[vector<16xi32>], vector<16xf32>,
        %add3A_58 = arith.constant 2 : i32
        %add3A_59 = vector.broadcast %add3A_58 : i32 to vector<16xi32>
        %add3A_60 = arith.addi %add3A_42, %add3A_59 : vector<16xi32>
        %gather3A_61 = tpu.vector_load_idx %arg5[%add3A_60] : memref<7200xf32, #tpu.memory_space<vmem>>[vector<16xi32>], vector<16xf32>,
        %add3A_62 = arith.constant 3 : i32
        %add3A_63 = vector.broadcast %add3A_62 : i32 to vector<16xi32>
        %add3A_64 = arith.addi %add3A_42, %add3A_63 : vector<16xi32>
        %gather3A_65 = tpu.vector_load_idx %arg5[%add3A_64] : memref<7200xf32, #tpu.memory_space<vmem>>[vector<16xi32>], vector<16xf32>,
        %add3A_66 = arith.constant 4 : i32
        %add3A_67 = vector.broadcast %add3A_66 : i32 to vector<16xi32>
        %add3A_68 = arith.addi %add3A_42, %add3A_67 : vector<16xi32>
        %gather3A_69 = tpu.vector_load_idx %arg5[%add3A_68] : memref<7200xf32, #tpu.memory_space<vmem>>[vector<16xi32>], vector<16xf32>,
        %add3A_70 = arith.constant 5 : i32
        %add3A_71 = vector.broadcast %add3A_70 : i32 to vector<16xi32>
        %add3A_72 = arith.addi %add3A_42, %add3A_71 : vector<16xi32>
        %gather3A_73 = tpu.vector_load_idx %arg5[%add3A_72] : memref<7200xf32, #tpu.memory_space<vmem>>[vector<16xi32>], vector<16xf32>,
        %add3A_74 = arith.constant 6 : i32
        %add3A_75 = vector.broadcast %add3A_74 : i32 to vector<16xi32>
        %add3A_76 = arith.addi %add3A_42, %add3A_75 : vector<16xi32>
        %gather3A_77 = tpu.vector_load_idx %arg5[%add3A_76] : memref<7200xf32, #tpu.memory_space<vmem>>[vector<16xi32>], vector<16xf32>,
        %add3A_78 = arith.constant 7 : i32
        %add3A_79 = vector.broadcast %add3A_78 : i32 to vector<16xi32>
        %add3A_80 = arith.addi %add3A_42, %add3A_79 : vector<16xi32>
        %gather3A_81 = tpu.vector_load_idx %arg5[%add3A_80] : memref<7200xf32, #tpu.memory_space<vmem>>[vector<16xi32>], vector<16xf32>,
        %add3A_82 = arith.constant 8 : i32
        %add3A_83 = vector.broadcast %add3A_82 : i32 to vector<16xi32>
        %add3A_84 = arith.addi %add3A_42, %add3A_83 : vector<16xi32>
        %gather3A_85 = tpu.vector_load_idx %arg5[%add3A_84] : memref<7200xf32, #tpu.memory_space<vmem>>[vector<16xi32>], vector<16xf32>,
        %add3A_86 = arith.constant 0 : i32
        %add3A_87 = vector.broadcast %add3A_86 : i32 to vector<16xi32>
        %add3A_88 = arith.addi %add3A_46, %add3A_87 : vector<16xi32>
        %gather3A_89 = tpu.vector_load_idx %arg6[%add3A_88] : memref<7200xf32, #tpu.memory_space<vmem>>[vector<16xi32>], vector<16xf32>,
        %add3A_90 = arith.constant 1 : i32
        %add3A_91 = vector.broadcast %add3A_90 : i32 to vector<16xi32>
        %add3A_92 = arith.addi %add3A_46, %add3A_91 : vector<16xi32>
        %gather3A_93 = tpu.vector_load_idx %arg6[%add3A_92] : memref<7200xf32, #tpu.memory_space<vmem>>[vector<16xi32>], vector<16xf32>,
        %add3A_94 = arith.constant 2 : i32
        %add3A_95 = vector.broadcast %add3A_94 : i32 to vector<16xi32>
        %add3A_96 = arith.addi %add3A_46, %add3A_95 : vector<16xi32>
        %gather3A_97 = tpu.vector_load_idx %arg6[%add3A_96] : memref<7200xf32, #tpu.memory_space<vmem>>[vector<16xi32>], vector<16xf32>,
        %add3A_98 = arith.constant 3 : i32
        %add3A_99 = vector.broadcast %add3A_98 : i32 to vector<16xi32>
        %add3A_100 = arith.addi %add3A_46, %add3A_99 : vector<16xi32>
        %gather3A_101 = tpu.vector_load_idx %arg6[%add3A_100] : memref<7200xf32, #tpu.memory_space<vmem>>[vector<16xi32>], vector<16xf32>,
        %add3A_102 = arith.constant 4 : i32
        %add3A_103 = vector.broadcast %add3A_102 : i32 to vector<16xi32>
        %add3A_104 = arith.addi %add3A_46, %add3A_103 : vector<16xi32>
        %gather3A_105 = tpu.vector_load_idx %arg6[%add3A_104] : memref<7200xf32, #tpu.memory_space<vmem>>[vector<16xi32>], vector<16xf32>,
        %add3A_106 = arith.constant 5 : i32
        %add3A_107 = vector.broadcast %add3A_106 : i32 to vector<16xi32>
        %add3A_108 = arith.addi %add3A_46, %add3A_107 : vector<16xi32>
        %gather3A_109 = tpu.vector_load_idx %arg6[%add3A_108] : memref<7200xf32, #tpu.memory_space<vmem>>[vector<16xi32>], vector<16xf32>,
        %add3A_110 = arith.constant 6 : i32
        %add3A_111 = vector.broadcast %add3A_110 : i32 to vector<16xi32>
        %add3A_112 = arith.addi %add3A_46, %add3A_111 : vector<16xi32>
        %gather3A_113 = tpu.vector_load_idx %arg6[%add3A_112] : memref<7200xf32, #tpu.memory_space<vmem>>[vector<16xi32>], vector<16xf32>,
        %add3A_114 = arith.constant 7 : i32
        %add3A_115 = vector.broadcast %add3A_114 : i32 to vector<16xi32>
        %add3A_116 = arith.addi %add3A_46, %add3A_115 : vector<16xi32>
        %gather3A_117 = tpu.vector_load_idx %arg6[%add3A_116] : memref<7200xf32, #tpu.memory_space<vmem>>[vector<16xi32>], vector<16xf32>,
        %add3A_118 = arith.constant 8 : i32
        %add3A_119 = vector.broadcast %add3A_118 : i32 to vector<16xi32>
        %add3A_120 = arith.addi %add3A_46, %add3A_119 : vector<16xi32>
        %gather3A_121 = tpu.vector_load_idx %arg6[%add3A_120] : memref<7200xf32, #tpu.memory_space<vmem>>[vector<16xi32>], vector<16xf32>,
        %mul3A_122 = arith.mulf %gather3A, %gather3A_89 : vector<16xf32>
        %mul3A_123 = arith.constant 1.000000e+00 : f32
        %mul3A_124 = vector.broadcast %mul3A_123 : f32 to vector<16xf32>
        %mul3A_125 = arith.mulf %mul3A_122, %mul3A_124 : vector<16xf32>
        %add3A_126 = arith.constant 0 : i32
        %add3A_127 = vector.broadcast %add3A_126 : i32 to vector<16xi32>
        %add3A_128 = arith.addi %add3A_50, %add3A_127 : vector<16xi32>
        tpu.vector_store_idx %arg7[%add3A_128], %mul3A_125 : memref<64800xf32, #tpu.memory_space<vmem>>[vector<16xi32>], vector<16xf32>,
        %mul3A_129 = arith.mulf %gather3A, %gather3A_101 : vector<16xf32>
        %mul3A_130 = arith.constant 1.000000e+00 : f32
        %mul3A_131 = vector.broadcast %mul3A_130 : f32 to vector<16xf32>
        %mul3A_132 = arith.mulf %mul3A_129, %mul3A_131 : vector<16xf32>
        %add3A_133 = arith.constant 3 : i32
        %add3A_134 = vector.broadcast %add3A_133 : i32 to vector<16xi32>
        %add3A_135 = arith.addi %add3A_50, %add3A_134 : vector<16xi32>
        tpu.vector_store_idx %arg7[%add3A_135], %mul3A_132 : memref<64800xf32, #tpu.memory_space<vmem>>[vector<16xi32>], vector<16xf32>,
        %mul3A_136 = arith.mulf %gather3A, %gather3A_97 : vector<16xf32>
        %mul3A_137 = arith.constant -1.000000e+00 : f32
        %mul3A_138 = vector.broadcast %mul3A_137 : f32 to vector<16xf32>
        %mul3A_139 = arith.mulf %mul3A_136, %mul3A_138 : vector<16xf32>
        %add3A_140 = arith.constant 4 : i32
        %add3A_141 = vector.broadcast %add3A_140 : i32 to vector<16xi32>
        %add3A_142 = arith.addi %add3A_50, %add3A_141 : vector<16xi32>
        tpu.vector_store_idx %arg7[%add3A_142], %mul3A_139 : memref<64800xf32, #tpu.memory_space<vmem>>[vector<16xi32>], vector<16xf32>,
        %mul3A_143 = arith.mulf %gather3A, %gather3A_93 : vector<16xf32>
        %mul3A_144 = arith.constant 1.000000e+00 : f32
        %mul3A_145 = vector.broadcast %mul3A_144 : f32 to vector<16xf32>
        %mul3A_146 = arith.mulf %mul3A_143, %mul3A_145 : vector<16xf32>
        %add3A_147 = arith.constant 5 : i32
        %add3A_148 = vector.broadcast %add3A_147 : i32 to vector<16xi32>
        %add3A_149 = arith.addi %add3A_50, %add3A_148 : vector<16xi32>
        tpu.vector_store_idx %arg7[%add3A_149], %mul3A_146 : memref<64800xf32, #tpu.memory_space<vmem>>[vector<16xi32>], vector<16xf32>,
        %mul3A_150 = arith.mulf %gather3A, %gather3A_121 : vector<16xf32>
        %mul3A_151 = arith.constant 1.000000e+00 : f32
        %mul3A_152 = vector.broadcast %mul3A_151 : f32 to vector<16xf32>
        %mul3A_153 = arith.mulf %mul3A_150, %mul3A_152 : vector<16xf32>
        %add3A_154 = arith.constant 21 : i32
        %add3A_155 = vector.broadcast %add3A_154 : i32 to vector<16xi32>
        %add3A_156 = arith.addi %add3A_50, %add3A_155 : vector<16xi32>
        tpu.vector_store_idx %arg7[%add3A_156], %mul3A_153 : memref<64800xf32, #tpu.memory_space<vmem>>[vector<16xi32>], vector<16xf32>,
        %mul3A_157 = arith.mulf %gather3A, %gather3A_117 : vector<16xf32>
        %mul3A_158 = arith.constant -1.000000e+00 : f32
        %mul3A_159 = vector.broadcast %mul3A_158 : f32 to vector<16xf32>
        %mul3A_160 = arith.mulf %mul3A_157, %mul3A_159 : vector<16xf32>
        %add3A_161 = arith.constant 22 : i32
        %add3A_162 = vector.broadcast %add3A_161 : i32 to vector<16xi32>
        %add3A_163 = arith.addi %add3A_50, %add3A_162 : vector<16xi32>
        tpu.vector_store_idx %arg7[%add3A_163], %mul3A_160 : memref<64800xf32, #tpu.memory_space<vmem>>[vector<16xi32>], vector<16xf32>,
        %mul3A_164 = arith.mulf %gather3A, %gather3A_113 : vector<16xf32>
        %mul3A_165 = arith.constant 1.000000e+00 : f32
        %mul3A_166 = vector.broadcast %mul3A_165 : f32 to vector<16xf32>
        %mul3A_167 = arith.mulf %mul3A_164, %mul3A_166 : vector<16xf32>
        %add3A_168 = arith.constant 23 : i32
        %add3A_169 = vector.broadcast %add3A_168 : i32 to vector<16xi32>
        %add3A_170 = arith.addi %add3A_50, %add3A_169 : vector<16xi32>
        tpu.vector_store_idx %arg7[%add3A_170], %mul3A_167 : memref<64800xf32, #tpu.memory_space<vmem>>[vector<16xi32>], vector<16xf32>,
        %mul3A_171 = arith.mulf %gather3A, %gather3A_109 : vector<16xf32>
        %mul3A_172 = arith.constant -1.000000e+00 : f32
        %mul3A_173 = vector.broadcast %mul3A_172 : f32 to vector<16xf32>
        %mul3A_174 = arith.mulf %mul3A_171, %mul3A_173 : vector<16xf32>
        %add3A_175 = arith.constant 24 : i32
        %add3A_176 = vector.broadcast %add3A_175 : i32 to vector<16xi32>
        %add3A_177 = arith.addi %add3A_50, %add3A_176 : vector<16xi32>
        tpu.vector_store_idx %arg7[%add3A_177], %mul3A_174 : memref<64800xf32, #tpu.memory_space<vmem>>[vector<16xi32>], vector<16xf32>,
        %mul3A_178 = arith.mulf %gather3A, %gather3A_105 : vector<16xf32>
        %mul3A_179 = arith.constant 1.000000e+00 : f32
        %mul3A_180 = vector.broadcast %mul3A_179 : f32 to vector<16xf32>
        %mul3A_181 = arith.mulf %mul3A_178, %mul3A_180 : vector<16xf32>
        %add3A_182 = arith.constant 25 : i32
        %add3A_183 = vector.broadcast %add3A_182 : i32 to vector<16xi32>
        %add3A_184 = arith.addi %add3A_50, %add3A_183 : vector<16xi32>
        tpu.vector_store_idx %arg7[%add3A_184], %mul3A_181 : memref<64800xf32, #tpu.memory_space<vmem>>[vector<16xi32>], vector<16xf32>,
        %mul3A_185 = arith.mulf %gather3A_65, %gather3A_89 : vector<16xf32>
        %mul3A_186 = arith.constant 1.000000e+00 : f32
        %mul3A_187 = vector.broadcast %mul3A_186 : f32 to vector<16xf32>
        %mul3A_188 = arith.mulf %mul3A_185, %mul3A_187 : vector<16xf32>
        %add3A_189 = arith.constant 6 : i32
        %add3A_190 = vector.broadcast %add3A_189 : i32 to vector<16xi32>
        %add3A_191 = arith.addi %add3A_50, %add3A_190 : vector<16xi32>
        tpu.vector_store_idx %arg7[%add3A_191], %mul3A_188 : memref<64800xf32, #tpu.memory_space<vmem>>[vector<16xi32>], vector<16xf32>,
        %mul3A_192 = arith.mulf %gather3A_61, %gather3A_89 : vector<16xf32>
        %mul3A_193 = arith.constant -1.000000e+00 : f32
        %mul3A_194 = vector.broadcast %mul3A_193 : f32 to vector<16xf32>
        %mul3A_195 = arith.mulf %mul3A_192, %mul3A_194 : vector<16xf32>
        %add3A_196 = arith.constant 7 : i32
        %add3A_197 = vector.broadcast %add3A_196 : i32 to vector<16xi32>
        %add3A_198 = arith.addi %add3A_50, %add3A_197 : vector<16xi32>
        tpu.vector_store_idx %arg7[%add3A_198], %mul3A_195 : memref<64800xf32, #tpu.memory_space<vmem>>[vector<16xi32>], vector<16xf32>,
        %mul3A_199 = arith.mulf %gather3A_57, %gather3A_89 : vector<16xf32>
        %mul3A_200 = arith.constant 1.000000e+00 : f32
        %mul3A_201 = vector.broadcast %mul3A_200 : f32 to vector<16xf32>
        %mul3A_202 = arith.mulf %mul3A_199, %mul3A_201 : vector<16xf32>
        %add3A_203 = arith.constant 8 : i32
        %add3A_204 = vector.broadcast %add3A_203 : i32 to vector<16xi32>
        %add3A_205 = arith.addi %add3A_50, %add3A_204 : vector<16xi32>
        tpu.vector_store_idx %arg7[%add3A_205], %mul3A_202 : memref<64800xf32, #tpu.memory_space<vmem>>[vector<16xi32>], vector<16xf32>,
        %mul3A_206 = arith.mulf %gather3A_65, %gather3A_93 : vector<16xf32>
        %mul3A_207 = arith.constant 0.577350259 : f32
        %mul3A_208 = vector.broadcast %mul3A_207 : f32 to vector<16xf32>
        %mul3A_209 = arith.mulf %mul3A_206, %mul3A_208 : vector<16xf32>
        %mul3A_210 = arith.mulf %gather3A_61, %gather3A_97 : vector<16xf32>
        %mul3A_211 = arith.constant -0.577350259 : f32
        %mul3A_212 = vector.broadcast %mul3A_211 : f32 to vector<16xf32>
        %mul3A_213 = arith.mulf %mul3A_210, %mul3A_212 : vector<16xf32>
        %add3A_214 = arith.addf %mul3A_209, %mul3A_213 : vector<16xf32>
        %mul3A_215 = arith.mulf %gather3A_57, %gather3A_101 : vector<16xf32>
        %mul3A_216 = arith.constant 0.577350259 : f32
        %mul3A_217 = vector.broadcast %mul3A_216 : f32 to vector<16xf32>
        %mul3A_218 = arith.mulf %mul3A_215, %mul3A_217 : vector<16xf32>
        %add3A_219 = arith.addf %add3A_214, %mul3A_218 : vector<16xf32>
        %add3A_220 = arith.constant 1 : i32
        %add3A_221 = vector.broadcast %add3A_220 : i32 to vector<16xi32>
        %add3A_222 = arith.addi %add3A_50, %add3A_221 : vector<16xi32>
        tpu.vector_store_idx %arg7[%add3A_222], %add3A_219 : memref<64800xf32, #tpu.memory_space<vmem>>[vector<16xi32>], vector<16xf32>,
        %mul3A_223 = arith.mulf %gather3A_65, %gather3A_97 : vector<16xf32>
        %mul3A_224 = arith.constant -0.707106769 : f32
        %mul3A_225 = vector.broadcast %mul3A_224 : f32 to vector<16xf32>
        %mul3A_226 = arith.mulf %mul3A_223, %mul3A_225 : vector<16xf32>
        %mul3A_227 = arith.mulf %gather3A_61, %gather3A_101 : vector<16xf32>
        %mul3A_228 = arith.constant 0.707106769 : f32
        %mul3A_229 = vector.broadcast %mul3A_228 : f32 to vector<16xf32>
        %mul3A_230 = arith.mulf %mul3A_227, %mul3A_229 : vector<16xf32>
        %add3A_231 = arith.addf %mul3A_226, %mul3A_230 : vector<16xf32>
        %add3A_232 = arith.constant 9 : i32
        %add3A_233 = vector.broadcast %add3A_232 : i32 to vector<16xi32>
        %add3A_234 = arith.addi %add3A_50, %add3A_233 : vector<16xi32>
        tpu.vector_store_idx %arg7[%add3A_234], %add3A_231 : memref<64800xf32, #tpu.memory_space<vmem>>[vector<16xi32>], vector<16xf32>,
        %mul3A_235 = arith.constant 0.707106769 : f32
        %mul3A_236 = vector.broadcast %mul3A_235 : f32 to vector<16xf32>
        %mul3A_237 = arith.mulf %mul3A_206, %mul3A_236 : vector<16xf32>
        %mul3A_238 = arith.constant -0.707106769 : f32
        %mul3A_239 = vector.broadcast %mul3A_238 : f32 to vector<16xf32>
        %mul3A_240 = arith.mulf %mul3A_215, %mul3A_239 : vector<16xf32>
        %add3A_241 = arith.addf %mul3A_237, %mul3A_240 : vector<16xf32>
        %add3A_242 = arith.constant 10 : i32
        %add3A_243 = vector.broadcast %add3A_242 : i32 to vector<16xi32>
        %add3A_244 = arith.addi %add3A_50, %add3A_243 : vector<16xi32>
        tpu.vector_store_idx %arg7[%add3A_244], %add3A_241 : memref<64800xf32, #tpu.memory_space<vmem>>[vector<16xi32>], vector<16xf32>,
        %mul3A_245 = arith.mulf %gather3A_61, %gather3A_93 : vector<16xf32>
        %mul3A_246 = arith.constant -0.707106769 : f32
        %mul3A_247 = vector.broadcast %mul3A_246 : f32 to vector<16xf32>
        %mul3A_248 = arith.mulf %mul3A_245, %mul3A_247 : vector<16xf32>
        %mul3A_249 = arith.mulf %gather3A_57, %gather3A_97 : vector<16xf32>
        %mul3A_250 = arith.constant 0.707106769 : f32
        %mul3A_251 = vector.broadcast %mul3A_250 : f32 to vector<16xf32>
        %mul3A_252 = arith.mulf %mul3A_249, %mul3A_251 : vector<16xf32>
        %add3A_253 = arith.addf %mul3A_248, %mul3A_252 : vector<16xf32>
        %add3A_254 = arith.constant 11 : i32
        %add3A_255 = vector.broadcast %add3A_254 : i32 to vector<16xi32>
        %add3A_256 = arith.addi %add3A_50, %add3A_255 : vector<16xi32>
        tpu.vector_store_idx %arg7[%add3A_256], %add3A_253 : memref<64800xf32, #tpu.memory_space<vmem>>[vector<16xi32>], vector<16xf32>,
        %mul3A_257 = arith.mulf %gather3A_65, %gather3A_101 : vector<16xf32>
        %mul3A_258 = arith.constant 1.000000e+00 : f32
        %mul3A_259 = vector.broadcast %mul3A_258 : f32 to vector<16xf32>
        %mul3A_260 = arith.mulf %mul3A_257, %mul3A_259 : vector<16xf32>
        %add3A_261 = arith.constant 26 : i32
        %add3A_262 = vector.broadcast %add3A_261 : i32 to vector<16xi32>
        %add3A_263 = arith.addi %add3A_50, %add3A_262 : vector<16xi32>
        tpu.vector_store_idx %arg7[%add3A_263], %mul3A_260 : memref<64800xf32, #tpu.memory_space<vmem>>[vector<16xi32>], vector<16xf32>,
        %mul3A_264 = arith.constant -0.707106769 : f32
        %mul3A_265 = vector.broadcast %mul3A_264 : f32 to vector<16xf32>
        %mul3A_266 = arith.mulf %mul3A_223, %mul3A_265 : vector<16xf32>
        %mul3A_267 = arith.constant -0.707106769 : f32
        %mul3A_268 = vector.broadcast %mul3A_267 : f32 to vector<16xf32>
        %mul3A_269 = arith.mulf %mul3A_227, %mul3A_268 : vector<16xf32>
        %add3A_270 = arith.addf %mul3A_266, %mul3A_269 : vector<16xf32>
        %add3A_271 = arith.constant 27 : i32
        %add3A_272 = vector.broadcast %add3A_271 : i32 to vector<16xi32>
        %add3A_273 = arith.addi %add3A_50, %add3A_272 : vector<16xi32>
        tpu.vector_store_idx %arg7[%add3A_273], %add3A_270 : memref<64800xf32, #tpu.memory_space<vmem>>[vector<16xi32>], vector<16xf32>,
        %mul3A_274 = arith.constant 0.408248305 : f32
        %mul3A_275 = vector.broadcast %mul3A_274 : f32 to vector<16xf32>
        %mul3A_276 = arith.mulf %mul3A_206, %mul3A_275 : vector<16xf32>
        %mul3A_277 = arith.constant 0.816496611 : f32
        %mul3A_278 = vector.broadcast %mul3A_277 : f32 to vector<16xf32>
        %mul3A_279 = arith.mulf %mul3A_210, %mul3A_278 : vector<16xf32>
        %add3A_280 = arith.addf %mul3A_276, %mul3A_279 : vector<16xf32>
        %mul3A_281 = arith.constant 0.408248305 : f32
        %mul3A_282 = vector.broadcast %mul3A_281 : f32 to vector<16xf32>
        %mul3A_283 = arith.mulf %mul3A_215, %mul3A_282 : vector<16xf32>
        %add3A_284 = arith.addf %add3A_280, %mul3A_283 : vector<16xf32>
        %add3A_285 = arith.constant 28 : i32
        %add3A_286 = vector.broadcast %add3A_285 : i32 to vector<16xi32>
        %add3A_287 = arith.addi %add3A_50, %add3A_286 : vector<16xi32>
        tpu.vector_store_idx %arg7[%add3A_287], %add3A_284 : memref<64800xf32, #tpu.memory_space<vmem>>[vector<16xi32>], vector<16xf32>,
        %mul3A_288 = arith.constant -0.707106769 : f32
        %mul3A_289 = vector.broadcast %mul3A_288 : f32 to vector<16xf32>
        %mul3A_290 = arith.mulf %mul3A_245, %mul3A_289 : vector<16xf32>
        %mul3A_291 = arith.constant -0.707106769 : f32
        %mul3A_292 = vector.broadcast %mul3A_291 : f32 to vector<16xf32>
        %mul3A_293 = arith.mulf %mul3A_249, %mul3A_292 : vector<16xf32>
        %add3A_294 = arith.addf %mul3A_290, %mul3A_293 : vector<16xf32>
        %add3A_295 = arith.constant 29 : i32
        %add3A_296 = vector.broadcast %add3A_295 : i32 to vector<16xi32>
        %add3A_297 = arith.addi %add3A_50, %add3A_296 : vector<16xi32>
        tpu.vector_store_idx %arg7[%add3A_297], %add3A_294 : memref<64800xf32, #tpu.memory_space<vmem>>[vector<16xi32>], vector<16xf32>,
        %mul3A_298 = arith.mulf %gather3A_57, %gather3A_93 : vector<16xf32>
        %mul3A_299 = arith.constant 1.000000e+00 : f32
        %mul3A_300 = vector.broadcast %mul3A_299 : f32 to vector<16xf32>
        %mul3A_301 = arith.mulf %mul3A_298, %mul3A_300 : vector<16xf32>
        %add3A_302 = arith.constant 30 : i32
        %add3A_303 = vector.broadcast %add3A_302 : i32 to vector<16xi32>
        %add3A_304 = arith.addi %add3A_50, %add3A_303 : vector<16xi32>
        tpu.vector_store_idx %arg7[%add3A_304], %mul3A_301 : memref<64800xf32, #tpu.memory_space<vmem>>[vector<16xi32>], vector<16xf32>,
        %mul3A_305 = arith.mulf %gather3A_65, %gather3A_113 : vector<16xf32>
        %mul3A_306 = arith.constant 0.316227764 : f32
        %mul3A_307 = vector.broadcast %mul3A_306 : f32 to vector<16xf32>
        %mul3A_308 = arith.mulf %mul3A_305, %mul3A_307 : vector<16xf32>
        %mul3A_309 = arith.mulf %gather3A_61, %gather3A_117 : vector<16xf32>
        %mul3A_310 = arith.constant -0.547722578 : f32
        %mul3A_311 = vector.broadcast %mul3A_310 : f32 to vector<16xf32>
        %mul3A_312 = arith.mulf %mul3A_309, %mul3A_311 : vector<16xf32>
        %add3A_313 = arith.addf %mul3A_308, %mul3A_312 : vector<16xf32>
        %mul3A_314 = arith.mulf %gather3A_57, %gather3A_121 : vector<16xf32>
        %mul3A_315 = arith.constant 0.774596691 : f32
        %mul3A_316 = vector.broadcast %mul3A_315 : f32 to vector<16xf32>
        %mul3A_317 = arith.mulf %mul3A_314, %mul3A_316 : vector<16xf32>
        %add3A_318 = arith.addf %add3A_313, %mul3A_317 : vector<16xf32>
        %add3A_319 = arith.constant 12 : i32
        %add3A_320 = vector.broadcast %add3A_319 : i32 to vector<16xi32>
        %add3A_321 = arith.addi %add3A_50, %add3A_320 : vector<16xi32>
        tpu.vector_store_idx %arg7[%add3A_321], %add3A_318 : memref<64800xf32, #tpu.memory_space<vmem>>[vector<16xi32>], vector<16xf32>,
        %mul3A_322 = arith.mulf %gather3A_65, %gather3A_109 : vector<16xf32>
        %mul3A_323 = arith.constant -0.547722578 : f32
        %mul3A_324 = vector.broadcast %mul3A_323 : f32 to vector<16xf32>
        %mul3A_325 = arith.mulf %mul3A_322, %mul3A_324 : vector<16xf32>
        %mul3A_326 = arith.mulf %gather3A_61, %gather3A_113 : vector<16xf32>
        %mul3A_327 = arith.constant 0.632455527 : f32
        %mul3A_328 = vector.broadcast %mul3A_327 : f32 to vector<16xf32>
        %mul3A_329 = arith.mulf %mul3A_326, %mul3A_328 : vector<16xf32>
        %add3A_330 = arith.addf %mul3A_325, %mul3A_329 : vector<16xf32>
        %mul3A_331 = arith.mulf %gather3A_57, %gather3A_117 : vector<16xf32>
        %mul3A_332 = arith.constant -0.547722578 : f32
        %mul3A_333 = vector.broadcast %mul3A_332 : f32 to vector<16xf32>
        %mul3A_334 = arith.mulf %mul3A_331, %mul3A_333 : vector<16xf32>
        %add3A_335 = arith.addf %add3A_330, %mul3A_334 : vector<16xf32>
        %add3A_336 = arith.constant 13 : i32
        %add3A_337 = vector.broadcast %add3A_336 : i32 to vector<16xi32>
        %add3A_338 = arith.addi %add3A_50, %add3A_337 : vector<16xi32>
        tpu.vector_store_idx %arg7[%add3A_338], %add3A_335 : memref<64800xf32, #tpu.memory_space<vmem>>[vector<16xi32>], vector<16xf32>,
        %mul3A_339 = arith.mulf %gather3A_65, %gather3A_105 : vector<16xf32>
        %mul3A_340 = arith.constant 0.774596691 : f32
        %mul3A_341 = vector.broadcast %mul3A_340 : f32 to vector<16xf32>
        %mul3A_342 = arith.mulf %mul3A_339, %mul3A_341 : vector<16xf32>
        %mul3A_343 = arith.mulf %gather3A_61, %gather3A_109 : vector<16xf32>
        %mul3A_344 = arith.constant -0.547722578 : f32
        %mul3A_345 = vector.broadcast %mul3A_344 : f32 to vector<16xf32>
        %mul3A_346 = arith.mulf %mul3A_343, %mul3A_345 : vector<16xf32>
        %add3A_347 = arith.addf %mul3A_342, %mul3A_346 : vector<16xf32>
        %mul3A_348 = arith.mulf %gather3A_57, %gather3A_113 : vector<16xf32>
        %mul3A_349 = arith.constant 0.316227764 : f32
        %mul3A_350 = vector.broadcast %mul3A_349 : f32 to vector<16xf32>
        %mul3A_351 = arith.mulf %mul3A_348, %mul3A_350 : vector<16xf32>
        %add3A_352 = arith.addf %add3A_347, %mul3A_351 : vector<16xf32>
        %add3A_353 = arith.constant 14 : i32
        %add3A_354 = vector.broadcast %add3A_353 : i32 to vector<16xi32>
        %add3A_355 = arith.addi %add3A_50, %add3A_354 : vector<16xi32>
        tpu.vector_store_idx %arg7[%add3A_355], %add3A_352 : memref<64800xf32, #tpu.memory_space<vmem>>[vector<16xi32>], vector<16xf32>,
        %mul3A_356 = arith.mulf %gather3A_65, %gather3A_117 : vector<16xf32>
        %mul3A_357 = arith.constant -0.577350259 : f32
        %mul3A_358 = vector.broadcast %mul3A_357 : f32 to vector<16xf32>
        %mul3A_359 = arith.mulf %mul3A_356, %mul3A_358 : vector<16xf32>
        %mul3A_360 = arith.mulf %gather3A_61, %gather3A_121 : vector<16xf32>
        %mul3A_361 = arith.constant 0.816496611 : f32
        %mul3A_362 = vector.broadcast %mul3A_361 : f32 to vector<16xf32>
        %mul3A_363 = arith.mulf %mul3A_360, %mul3A_362 : vector<16xf32>
        %add3A_364 = arith.addf %mul3A_359, %mul3A_363 : vector<16xf32>
        %add3A_365 = arith.constant 31 : i32
        %add3A_366 = vector.broadcast %add3A_365 : i32 to vector<16xi32>
        %add3A_367 = arith.addi %add3A_50, %add3A_366 : vector<16xi32>
        tpu.vector_store_idx %arg7[%add3A_367], %add3A_364 : memref<64800xf32, #tpu.memory_space<vmem>>[vector<16xi32>], vector<16xf32>,
        %mul3A_368 = arith.constant 0.707106769 : f32
        %mul3A_369 = vector.broadcast %mul3A_368 : f32 to vector<16xf32>
        %mul3A_370 = arith.mulf %mul3A_305, %mul3A_369 : vector<16xf32>
        %mul3A_371 = arith.constant -0.408248305 : f32
        %mul3A_372 = vector.broadcast %mul3A_371 : f32 to vector<16xf32>
        %mul3A_373 = arith.mulf %mul3A_309, %mul3A_372 : vector<16xf32>
        %add3A_374 = arith.addf %mul3A_370, %mul3A_373 : vector<16xf32>
        %mul3A_375 = arith.constant -0.577350259 : f32
        %mul3A_376 = vector.broadcast %mul3A_375 : f32 to vector<16xf32>
        %mul3A_377 = arith.mulf %mul3A_314, %mul3A_376 : vector<16xf32>
        %add3A_378 = arith.addf %add3A_374, %mul3A_377 : vector<16xf32>
        %add3A_379 = arith.constant 32 : i32
        %add3A_380 = vector.broadcast %add3A_379 : i32 to vector<16xi32>
        %add3A_381 = arith.addi %add3A_50, %add3A_380 : vector<16xi32>
        tpu.vector_store_idx %arg7[%add3A_381], %add3A_378 : memref<64800xf32, #tpu.memory_space<vmem>>[vector<16xi32>], vector<16xf32>,
        %mul3A_382 = arith.constant -0.707106769 : f32
        %mul3A_383 = vector.broadcast %mul3A_382 : f32 to vector<16xf32>
        %mul3A_384 = arith.mulf %mul3A_322, %mul3A_383 : vector<16xf32>
        %mul3A_385 = arith.constant 0.707106769 : f32
        %mul3A_386 = vector.broadcast %mul3A_385 : f32 to vector<16xf32>
        %mul3A_387 = arith.mulf %mul3A_331, %mul3A_386 : vector<16xf32>
        %add3A_388 = arith.addf %mul3A_384, %mul3A_387 : vector<16xf32>
        %add3A_389 = arith.constant 33 : i32
        %add3A_390 = vector.broadcast %add3A_389 : i32 to vector<16xi32>
        %add3A_391 = arith.addi %add3A_50, %add3A_390 : vector<16xi32>
        tpu.vector_store_idx %arg7[%add3A_391], %add3A_388 : memref<64800xf32, #tpu.memory_space<vmem>>[vector<16xi32>], vector<16xf32>,
        %mul3A_392 = arith.constant 0.577350259 : f32
        %mul3A_393 = vector.broadcast %mul3A_392 : f32 to vector<16xf32>
        %mul3A_394 = arith.mulf %mul3A_339, %mul3A_393 : vector<16xf32>
        %mul3A_395 = arith.constant 0.408248305 : f32
        %mul3A_396 = vector.broadcast %mul3A_395 : f32 to vector<16xf32>
        %mul3A_397 = arith.mulf %mul3A_343, %mul3A_396 : vector<16xf32>
        %add3A_398 = arith.addf %mul3A_394, %mul3A_397 : vector<16xf32>
        %mul3A_399 = arith.constant -0.707106769 : f32
        %mul3A_400 = vector.broadcast %mul3A_399 : f32 to vector<16xf32>
        %mul3A_401 = arith.mulf %mul3A_348, %mul3A_400 : vector<16xf32>
        %add3A_402 = arith.addf %add3A_398, %mul3A_401 : vector<16xf32>
        %add3A_403 = arith.constant 34 : i32
        %add3A_404 = vector.broadcast %add3A_403 : i32 to vector<16xi32>
        %add3A_405 = arith.addi %add3A_50, %add3A_404 : vector<16xi32>
        tpu.vector_store_idx %arg7[%add3A_405], %add3A_402 : memref<64800xf32, #tpu.memory_space<vmem>>[vector<16xi32>], vector<16xf32>,
        %mul3A_406 = arith.mulf %gather3A_61, %gather3A_105 : vector<16xf32>
        %mul3A_407 = arith.constant -0.816496611 : f32
        %mul3A_408 = vector.broadcast %mul3A_407 : f32 to vector<16xf32>
        %mul3A_409 = arith.mulf %mul3A_406, %mul3A_408 : vector<16xf32>
        %mul3A_410 = arith.mulf %gather3A_57, %gather3A_109 : vector<16xf32>
        %mul3A_411 = arith.constant 0.577350259 : f32
        %mul3A_412 = vector.broadcast %mul3A_411 : f32 to vector<16xf32>
        %mul3A_413 = arith.mulf %mul3A_410, %mul3A_412 : vector<16xf32>
        %add3A_414 = arith.addf %mul3A_409, %mul3A_413 : vector<16xf32>
        %add3A_415 = arith.constant 35 : i32
        %add3A_416 = vector.broadcast %add3A_415 : i32 to vector<16xi32>
        %add3A_417 = arith.addi %add3A_50, %add3A_416 : vector<16xi32>
        tpu.vector_store_idx %arg7[%add3A_417], %add3A_414 : memref<64800xf32, #tpu.memory_space<vmem>>[vector<16xi32>], vector<16xf32>,
        %mul3A_418 = arith.mulf %gather3A_65, %gather3A_121 : vector<16xf32>
        %mul3A_419 = arith.constant 1.000000e+00 : f32
        %mul3A_420 = vector.broadcast %mul3A_419 : f32 to vector<16xf32>
        %mul3A_421 = arith.mulf %mul3A_418, %mul3A_420 : vector<16xf32>
        %add3A_422 = arith.constant 51 : i32
        %add3A_423 = vector.broadcast %add3A_422 : i32 to vector<16xi32>
        %add3A_424 = arith.addi %add3A_50, %add3A_423 : vector<16xi32>
        tpu.vector_store_idx %arg7[%add3A_424], %mul3A_421 : memref<64800xf32, #tpu.memory_space<vmem>>[vector<16xi32>], vector<16xf32>,
        %mul3A_425 = arith.constant -0.816496611 : f32
        %mul3A_426 = vector.broadcast %mul3A_425 : f32 to vector<16xf32>
        %mul3A_427 = arith.mulf %mul3A_356, %mul3A_426 : vector<16xf32>
        %mul3A_428 = arith.constant -0.577350259 : f32
        %mul3A_429 = vector.broadcast %mul3A_428 : f32 to vector<16xf32>
        %mul3A_430 = arith.mulf %mul3A_360, %mul3A_429 : vector<16xf32>
        %add3A_431 = arith.addf %mul3A_427, %mul3A_430 : vector<16xf32>
        %add3A_432 = arith.constant 52 : i32
        %add3A_433 = vector.broadcast %add3A_432 : i32 to vector<16xi32>
        %add3A_434 = arith.addi %add3A_50, %add3A_433 : vector<16xi32>
        tpu.vector_store_idx %arg7[%add3A_434], %add3A_431 : memref<64800xf32, #tpu.memory_space<vmem>>[vector<16xi32>], vector<16xf32>,
        %mul3A_435 = arith.constant 0.632455527 : f32
        %mul3A_436 = vector.broadcast %mul3A_435 : f32 to vector<16xf32>
        %mul3A_437 = arith.mulf %mul3A_305, %mul3A_436 : vector<16xf32>
        %mul3A_438 = arith.constant 0.730296731 : f32
        %mul3A_439 = vector.broadcast %mul3A_438 : f32 to vector<16xf32>
        %mul3A_440 = arith.mulf %mul3A_309, %mul3A_439 : vector<16xf32>
        %add3A_441 = arith.addf %mul3A_437, %mul3A_440 : vector<16xf32>
        %mul3A_442 = arith.constant 0.258198887 : f32
        %mul3A_443 = vector.broadcast %mul3A_442 : f32 to vector<16xf32>
        %mul3A_444 = arith.mulf %mul3A_314, %mul3A_443 : vector<16xf32>
        %add3A_445 = arith.addf %add3A_441, %mul3A_444 : vector<16xf32>
        %add3A_446 = arith.constant 53 : i32
        %add3A_447 = vector.broadcast %add3A_446 : i32 to vector<16xi32>
        %add3A_448 = arith.addi %add3A_50, %add3A_447 : vector<16xi32>
        tpu.vector_store_idx %arg7[%add3A_448], %add3A_445 : memref<64800xf32, #tpu.memory_space<vmem>>[vector<16xi32>], vector<16xf32>,
        %mul3A_449 = arith.constant -0.44721359 : f32
        %mul3A_450 = vector.broadcast %mul3A_449 : f32 to vector<16xf32>
        %mul3A_451 = arith.mulf %mul3A_322, %mul3A_450 : vector<16xf32>
        %mul3A_452 = arith.constant -0.774596691 : f32
        %mul3A_453 = vector.broadcast %mul3A_452 : f32 to vector<16xf32>
        %mul3A_454 = arith.mulf %mul3A_326, %mul3A_453 : vector<16xf32>
        %add3A_455 = arith.addf %mul3A_451, %mul3A_454 : vector<16xf32>
        %mul3A_456 = arith.constant -0.44721359 : f32
        %mul3A_457 = vector.broadcast %mul3A_456 : f32 to vector<16xf32>
        %mul3A_458 = arith.mulf %mul3A_331, %mul3A_457 : vector<16xf32>
        %add3A_459 = arith.addf %add3A_455, %mul3A_458 : vector<16xf32>
        %add3A_460 = arith.constant 54 : i32
        %add3A_461 = vector.broadcast %add3A_460 : i32 to vector<16xi32>
        %add3A_462 = arith.addi %add3A_50, %add3A_461 : vector<16xi32>
        tpu.vector_store_idx %arg7[%add3A_462], %add3A_459 : memref<64800xf32, #tpu.memory_space<vmem>>[vector<16xi32>], vector<16xf32>,
        %mul3A_463 = arith.constant 0.258198887 : f32
        %mul3A_464 = vector.broadcast %mul3A_463 : f32 to vector<16xf32>
        %mul3A_465 = arith.mulf %mul3A_339, %mul3A_464 : vector<16xf32>
        %mul3A_466 = arith.constant 0.730296731 : f32
        %mul3A_467 = vector.broadcast %mul3A_466 : f32 to vector<16xf32>
        %mul3A_468 = arith.mulf %mul3A_343, %mul3A_467 : vector<16xf32>
        %add3A_469 = arith.addf %mul3A_465, %mul3A_468 : vector<16xf32>
        %mul3A_470 = arith.constant 0.632455527 : f32
        %mul3A_471 = vector.broadcast %mul3A_470 : f32 to vector<16xf32>
        %mul3A_472 = arith.mulf %mul3A_348, %mul3A_471 : vector<16xf32>
        %add3A_473 = arith.addf %add3A_469, %mul3A_472 : vector<16xf32>
        %add3A_474 = arith.constant 55 : i32
        %add3A_475 = vector.broadcast %add3A_474 : i32 to vector<16xi32>
        %add3A_476 = arith.addi %add3A_50, %add3A_475 : vector<16xi32>
        tpu.vector_store_idx %arg7[%add3A_476], %add3A_473 : memref<64800xf32, #tpu.memory_space<vmem>>[vector<16xi32>], vector<16xf32>,
        %mul3A_477 = arith.constant -0.577350259 : f32
        %mul3A_478 = vector.broadcast %mul3A_477 : f32 to vector<16xf32>
        %mul3A_479 = arith.mulf %mul3A_406, %mul3A_478 : vector<16xf32>
        %mul3A_480 = arith.constant -0.816496611 : f32
        %mul3A_481 = vector.broadcast %mul3A_480 : f32 to vector<16xf32>
        %mul3A_482 = arith.mulf %mul3A_410, %mul3A_481 : vector<16xf32>
        %add3A_483 = arith.addf %mul3A_479, %mul3A_482 : vector<16xf32>
        %add3A_484 = arith.constant 56 : i32
        %add3A_485 = vector.broadcast %add3A_484 : i32 to vector<16xi32>
        %add3A_486 = arith.addi %add3A_50, %add3A_485 : vector<16xi32>
        tpu.vector_store_idx %arg7[%add3A_486], %add3A_483 : memref<64800xf32, #tpu.memory_space<vmem>>[vector<16xi32>], vector<16xf32>,
        %mul3A_487 = arith.mulf %gather3A_57, %gather3A_105 : vector<16xf32>
        %mul3A_488 = arith.constant 1.000000e+00 : f32
        %mul3A_489 = vector.broadcast %mul3A_488 : f32 to vector<16xf32>
        %mul3A_490 = arith.mulf %mul3A_487, %mul3A_489 : vector<16xf32>
        %add3A_491 = arith.constant 57 : i32
        %add3A_492 = vector.broadcast %add3A_491 : i32 to vector<16xi32>
        %add3A_493 = arith.addi %add3A_50, %add3A_492 : vector<16xi32>
        tpu.vector_store_idx %arg7[%add3A_493], %mul3A_490 : memref<64800xf32, #tpu.memory_space<vmem>>[vector<16xi32>], vector<16xf32>,
        %mul3A_494 = arith.mulf %gather3A_85, %gather3A_89 : vector<16xf32>
        %mul3A_495 = arith.constant 1.000000e+00 : f32
        %mul3A_496 = vector.broadcast %mul3A_495 : f32 to vector<16xf32>
        %mul3A_497 = arith.mulf %mul3A_494, %mul3A_496 : vector<16xf32>
        %add3A_498 = arith.constant 36 : i32
        %add3A_499 = vector.broadcast %add3A_498 : i32 to vector<16xi32>
        %add3A_500 = arith.addi %add3A_50, %add3A_499 : vector<16xi32>
        tpu.vector_store_idx %arg7[%add3A_500], %mul3A_497 : memref<64800xf32, #tpu.memory_space<vmem>>[vector<16xi32>], vector<16xf32>,
        %mul3A_501 = arith.mulf %gather3A_81, %gather3A_89 : vector<16xf32>
        %mul3A_502 = arith.constant -1.000000e+00 : f32
        %mul3A_503 = vector.broadcast %mul3A_502 : f32 to vector<16xf32>
        %mul3A_504 = arith.mulf %mul3A_501, %mul3A_503 : vector<16xf32>
        %add3A_505 = arith.constant 37 : i32
        %add3A_506 = vector.broadcast %add3A_505 : i32 to vector<16xi32>
        %add3A_507 = arith.addi %add3A_50, %add3A_506 : vector<16xi32>
        tpu.vector_store_idx %arg7[%add3A_507], %mul3A_504 : memref<64800xf32, #tpu.memory_space<vmem>>[vector<16xi32>], vector<16xf32>,
        %mul3A_508 = arith.mulf %gather3A_77, %gather3A_89 : vector<16xf32>
        %mul3A_509 = arith.constant 1.000000e+00 : f32
        %mul3A_510 = vector.broadcast %mul3A_509 : f32 to vector<16xf32>
        %mul3A_511 = arith.mulf %mul3A_508, %mul3A_510 : vector<16xf32>
        %add3A_512 = arith.constant 38 : i32
        %add3A_513 = vector.broadcast %add3A_512 : i32 to vector<16xi32>
        %add3A_514 = arith.addi %add3A_50, %add3A_513 : vector<16xi32>
        tpu.vector_store_idx %arg7[%add3A_514], %mul3A_511 : memref<64800xf32, #tpu.memory_space<vmem>>[vector<16xi32>], vector<16xf32>,
        %mul3A_515 = arith.mulf %gather3A_73, %gather3A_89 : vector<16xf32>
        %mul3A_516 = arith.constant -1.000000e+00 : f32
        %mul3A_517 = vector.broadcast %mul3A_516 : f32 to vector<16xf32>
        %mul3A_518 = arith.mulf %mul3A_515, %mul3A_517 : vector<16xf32>
        %add3A_519 = arith.constant 39 : i32
        %add3A_520 = vector.broadcast %add3A_519 : i32 to vector<16xi32>
        %add3A_521 = arith.addi %add3A_50, %add3A_520 : vector<16xi32>
        tpu.vector_store_idx %arg7[%add3A_521], %mul3A_518 : memref<64800xf32, #tpu.memory_space<vmem>>[vector<16xi32>], vector<16xf32>,
        %mul3A_522 = arith.mulf %gather3A_69, %gather3A_89 : vector<16xf32>
        %mul3A_523 = arith.constant 1.000000e+00 : f32
        %mul3A_524 = vector.broadcast %mul3A_523 : f32 to vector<16xf32>
        %mul3A_525 = arith.mulf %mul3A_522, %mul3A_524 : vector<16xf32>
        %add3A_526 = arith.constant 40 : i32
        %add3A_527 = vector.broadcast %add3A_526 : i32 to vector<16xi32>
        %add3A_528 = arith.addi %add3A_50, %add3A_527 : vector<16xi32>
        tpu.vector_store_idx %arg7[%add3A_528], %mul3A_525 : memref<64800xf32, #tpu.memory_space<vmem>>[vector<16xi32>], vector<16xf32>,
        %mul3A_529 = arith.mulf %gather3A_85, %gather3A_93 : vector<16xf32>
        %mul3A_530 = arith.constant 0.774596691 : f32
        %mul3A_531 = vector.broadcast %mul3A_530 : f32 to vector<16xf32>
        %mul3A_532 = arith.mulf %mul3A_529, %mul3A_531 : vector<16xf32>
        %mul3A_533 = arith.mulf %gather3A_81, %gather3A_97 : vector<16xf32>
        %mul3A_534 = arith.constant -0.547722578 : f32
        %mul3A_535 = vector.broadcast %mul3A_534 : f32 to vector<16xf32>
        %mul3A_536 = arith.mulf %mul3A_533, %mul3A_535 : vector<16xf32>
        %add3A_537 = arith.addf %mul3A_532, %mul3A_536 : vector<16xf32>
        %mul3A_538 = arith.mulf %gather3A_77, %gather3A_101 : vector<16xf32>
        %mul3A_539 = arith.constant 0.316227764 : f32
        %mul3A_540 = vector.broadcast %mul3A_539 : f32 to vector<16xf32>
        %mul3A_541 = arith.mulf %mul3A_538, %mul3A_540 : vector<16xf32>
        %add3A_542 = arith.addf %add3A_537, %mul3A_541 : vector<16xf32>
        %add3A_543 = arith.constant 15 : i32
        %add3A_544 = vector.broadcast %add3A_543 : i32 to vector<16xi32>
        %add3A_545 = arith.addi %add3A_50, %add3A_544 : vector<16xi32>
        tpu.vector_store_idx %arg7[%add3A_545], %add3A_542 : memref<64800xf32, #tpu.memory_space<vmem>>[vector<16xi32>], vector<16xf32>,
        %mul3A_546 = arith.mulf %gather3A_81, %gather3A_93 : vector<16xf32>
        %mul3A_547 = arith.constant -0.547722578 : f32
        %mul3A_548 = vector.broadcast %mul3A_547 : f32 to vector<16xf32>
        %mul3A_549 = arith.mulf %mul3A_546, %mul3A_548 : vector<16xf32>
        %mul3A_550 = arith.mulf %gather3A_77, %gather3A_97 : vector<16xf32>
        %mul3A_551 = arith.constant 0.632455527 : f32
        %mul3A_552 = vector.broadcast %mul3A_551 : f32 to vector<16xf32>
        %mul3A_553 = arith.mulf %mul3A_550, %mul3A_552 : vector<16xf32>
        %add3A_554 = arith.addf %mul3A_549, %mul3A_553 : vector<16xf32>
        %mul3A_555 = arith.mulf %gather3A_73, %gather3A_101 : vector<16xf32>
        %mul3A_556 = arith.constant -0.547722578 : f32
        %mul3A_557 = vector.broadcast %mul3A_556 : f32 to vector<16xf32>
        %mul3A_558 = arith.mulf %mul3A_555, %mul3A_557 : vector<16xf32>
        %add3A_559 = arith.addf %add3A_554, %mul3A_558 : vector<16xf32>
        %add3A_560 = arith.constant 16 : i32
        %add3A_561 = vector.broadcast %add3A_560 : i32 to vector<16xi32>
        %add3A_562 = arith.addi %add3A_50, %add3A_561 : vector<16xi32>
        tpu.vector_store_idx %arg7[%add3A_562], %add3A_559 : memref<64800xf32, #tpu.memory_space<vmem>>[vector<16xi32>], vector<16xf32>,
        %mul3A_563 = arith.mulf %gather3A_77, %gather3A_93 : vector<16xf32>
        %mul3A_564 = arith.constant 0.316227764 : f32
        %mul3A_565 = vector.broadcast %mul3A_564 : f32 to vector<16xf32>
        %mul3A_566 = arith.mulf %mul3A_563, %mul3A_565 : vector<16xf32>
        %mul3A_567 = arith.mulf %gather3A_73, %gather3A_97 : vector<16xf32>
        %mul3A_568 = arith.constant -0.547722578 : f32
        %mul3A_569 = vector.broadcast %mul3A_568 : f32 to vector<16xf32>
        %mul3A_570 = arith.mulf %mul3A_567, %mul3A_569 : vector<16xf32>
        %add3A_571 = arith.addf %mul3A_566, %mul3A_570 : vector<16xf32>
        %mul3A_572 = arith.mulf %gather3A_69, %gather3A_101 : vector<16xf32>
        %mul3A_573 = arith.constant 0.774596691 : f32
        %mul3A_574 = vector.broadcast %mul3A_573 : f32 to vector<16xf32>
        %mul3A_575 = arith.mulf %mul3A_572, %mul3A_574 : vector<16xf32>
        %add3A_576 = arith.addf %add3A_571, %mul3A_575 : vector<16xf32>
        %add3A_577 = arith.constant 17 : i32
        %add3A_578 = vector.broadcast %add3A_577 : i32 to vector<16xi32>
        %add3A_579 = arith.addi %add3A_50, %add3A_578 : vector<16xi32>
        tpu.vector_store_idx %arg7[%add3A_579], %add3A_576 : memref<64800xf32, #tpu.memory_space<vmem>>[vector<16xi32>], vector<16xf32>,
        %mul3A_580 = arith.mulf %gather3A_85, %gather3A_97 : vector<16xf32>
        %mul3A_581 = arith.constant -0.816496611 : f32
        %mul3A_582 = vector.broadcast %mul3A_581 : f32 to vector<16xf32>
        %mul3A_583 = arith.mulf %mul3A_580, %mul3A_582 : vector<16xf32>
        %mul3A_584 = arith.mulf %gather3A_81, %gather3A_101 : vector<16xf32>
        %mul3A_585 = arith.constant 0.577350259 : f32
        %mul3A_586 = vector.broadcast %mul3A_585 : f32 to vector<16xf32>
        %mul3A_587 = arith.mulf %mul3A_584, %mul3A_586 : vector<16xf32>
        %add3A_588 = arith.addf %mul3A_583, %mul3A_587 : vector<16xf32>
        %add3A_589 = arith.constant 41 : i32
        %add3A_590 = vector.broadcast %add3A_589 : i32 to vector<16xi32>
        %add3A_591 = arith.addi %add3A_50, %add3A_590 : vector<16xi32>
        tpu.vector_store_idx %arg7[%add3A_591], %add3A_588 : memref<64800xf32, #tpu.memory_space<vmem>>[vector<16xi32>], vector<16xf32>,
        %mul3A_592 = arith.constant 0.577350259 : f32
        %mul3A_593 = vector.broadcast %mul3A_592 : f32 to vector<16xf32>
        %mul3A_594 = arith.mulf %mul3A_529, %mul3A_593 : vector<16xf32>
        %mul3A_595 = arith.constant 0.408248305 : f32
        %mul3A_596 = vector.broadcast %mul3A_595 : f32 to vector<16xf32>
        %mul3A_597 = arith.mulf %mul3A_533, %mul3A_596 : vector<16xf32>
        %add3A_598 = arith.addf %mul3A_594, %mul3A_597 : vector<16xf32>
        %mul3A_599 = arith.constant -0.707106769 : f32
        %mul3A_600 = vector.broadcast %mul3A_599 : f32 to vector<16xf32>
        %mul3A_601 = arith.mulf %mul3A_538, %mul3A_600 : vector<16xf32>
        %add3A_602 = arith.addf %add3A_598, %mul3A_601 : vector<16xf32>
        %add3A_603 = arith.constant 42 : i32
        %add3A_604 = vector.broadcast %add3A_603 : i32 to vector<16xi32>
        %add3A_605 = arith.addi %add3A_50, %add3A_604 : vector<16xi32>
        tpu.vector_store_idx %arg7[%add3A_605], %add3A_602 : memref<64800xf32, #tpu.memory_space<vmem>>[vector<16xi32>], vector<16xf32>,
        %mul3A_606 = arith.constant -0.707106769 : f32
        %mul3A_607 = vector.broadcast %mul3A_606 : f32 to vector<16xf32>
        %mul3A_608 = arith.mulf %mul3A_546, %mul3A_607 : vector<16xf32>
        %mul3A_609 = arith.constant 0.707106769 : f32
        %mul3A_610 = vector.broadcast %mul3A_609 : f32 to vector<16xf32>
        %mul3A_611 = arith.mulf %mul3A_555, %mul3A_610 : vector<16xf32>
        %add3A_612 = arith.addf %mul3A_608, %mul3A_611 : vector<16xf32>
        %add3A_613 = arith.constant 43 : i32
        %add3A_614 = vector.broadcast %add3A_613 : i32 to vector<16xi32>
        %add3A_615 = arith.addi %add3A_50, %add3A_614 : vector<16xi32>
        tpu.vector_store_idx %arg7[%add3A_615], %add3A_612 : memref<64800xf32, #tpu.memory_space<vmem>>[vector<16xi32>], vector<16xf32>,
        %mul3A_616 = arith.constant 0.707106769 : f32
        %mul3A_617 = vector.broadcast %mul3A_616 : f32 to vector<16xf32>
        %mul3A_618 = arith.mulf %mul3A_563, %mul3A_617 : vector<16xf32>
        %mul3A_619 = arith.constant -0.408248305 : f32
        %mul3A_620 = vector.broadcast %mul3A_619 : f32 to vector<16xf32>
        %mul3A_621 = arith.mulf %mul3A_567, %mul3A_620 : vector<16xf32>
        %add3A_622 = arith.addf %mul3A_618, %mul3A_621 : vector<16xf32>
        %mul3A_623 = arith.constant -0.577350259 : f32
        %mul3A_624 = vector.broadcast %mul3A_623 : f32 to vector<16xf32>
        %mul3A_625 = arith.mulf %mul3A_572, %mul3A_624 : vector<16xf32>
        %add3A_626 = arith.addf %add3A_622, %mul3A_625 : vector<16xf32>
        %add3A_627 = arith.constant 44 : i32
        %add3A_628 = vector.broadcast %add3A_627 : i32 to vector<16xi32>
        %add3A_629 = arith.addi %add3A_50, %add3A_628 : vector<16xi32>
        tpu.vector_store_idx %arg7[%add3A_629], %add3A_626 : memref<64800xf32, #tpu.memory_space<vmem>>[vector<16xi32>], vector<16xf32>,
        %mul3A_630 = arith.mulf %gather3A_73, %gather3A_93 : vector<16xf32>
        %mul3A_631 = arith.constant -0.577350259 : f32
        %mul3A_632 = vector.broadcast %mul3A_631 : f32 to vector<16xf32>
        %mul3A_633 = arith.mulf %mul3A_630, %mul3A_632 : vector<16xf32>
        %mul3A_634 = arith.mulf %gather3A_69, %gather3A_97 : vector<16xf32>
        %mul3A_635 = arith.constant 0.816496611 : f32
        %mul3A_636 = vector.broadcast %mul3A_635 : f32 to vector<16xf32>
        %mul3A_637 = arith.mulf %mul3A_634, %mul3A_636 : vector<16xf32>
        %add3A_638 = arith.addf %mul3A_633, %mul3A_637 : vector<16xf32>
        %add3A_639 = arith.constant 45 : i32
        %add3A_640 = vector.broadcast %add3A_639 : i32 to vector<16xi32>
        %add3A_641 = arith.addi %add3A_50, %add3A_640 : vector<16xi32>
        tpu.vector_store_idx %arg7[%add3A_641], %add3A_638 : memref<64800xf32, #tpu.memory_space<vmem>>[vector<16xi32>], vector<16xf32>,
        %mul3A_642 = arith.mulf %gather3A_85, %gather3A_101 : vector<16xf32>
        %mul3A_643 = arith.constant 1.000000e+00 : f32
        %mul3A_644 = vector.broadcast %mul3A_643 : f32 to vector<16xf32>
        %mul3A_645 = arith.mulf %mul3A_642, %mul3A_644 : vector<16xf32>
        %add3A_646 = arith.constant 58 : i32
        %add3A_647 = vector.broadcast %add3A_646 : i32 to vector<16xi32>
        %add3A_648 = arith.addi %add3A_50, %add3A_647 : vector<16xi32>
        tpu.vector_store_idx %arg7[%add3A_648], %mul3A_645 : memref<64800xf32, #tpu.memory_space<vmem>>[vector<16xi32>], vector<16xf32>,
        %mul3A_649 = arith.constant -0.577350259 : f32
        %mul3A_650 = vector.broadcast %mul3A_649 : f32 to vector<16xf32>
        %mul3A_651 = arith.mulf %mul3A_580, %mul3A_650 : vector<16xf32>
        %mul3A_652 = arith.constant -0.816496611 : f32
        %mul3A_653 = vector.broadcast %mul3A_652 : f32 to vector<16xf32>
        %mul3A_654 = arith.mulf %mul3A_584, %mul3A_653 : vector<16xf32>
        %add3A_655 = arith.addf %mul3A_651, %mul3A_654 : vector<16xf32>
        %add3A_656 = arith.constant 59 : i32
        %add3A_657 = vector.broadcast %add3A_656 : i32 to vector<16xi32>
        %add3A_658 = arith.addi %add3A_50, %add3A_657 : vector<16xi32>
        tpu.vector_store_idx %arg7[%add3A_658], %add3A_655 : memref<64800xf32, #tpu.memory_space<vmem>>[vector<16xi32>], vector<16xf32>,
        %mul3A_659 = arith.constant 0.258198887 : f32
        %mul3A_660 = vector.broadcast %mul3A_659 : f32 to vector<16xf32>
        %mul3A_661 = arith.mulf %mul3A_529, %mul3A_660 : vector<16xf32>
        %mul3A_662 = arith.constant 0.730296731 : f32
        %mul3A_663 = vector.broadcast %mul3A_662 : f32 to vector<16xf32>
        %mul3A_664 = arith.mulf %mul3A_533, %mul3A_663 : vector<16xf32>
        %add3A_665 = arith.addf %mul3A_661, %mul3A_664 : vector<16xf32>
        %mul3A_666 = arith.constant 0.632455527 : f32
        %mul3A_667 = vector.broadcast %mul3A_666 : f32 to vector<16xf32>
        %mul3A_668 = arith.mulf %mul3A_538, %mul3A_667 : vector<16xf32>
        %add3A_669 = arith.addf %add3A_665, %mul3A_668 : vector<16xf32>
        %add3A_670 = arith.constant 60 : i32
        %add3A_671 = vector.broadcast %add3A_670 : i32 to vector<16xi32>
        %add3A_672 = arith.addi %add3A_50, %add3A_671 : vector<16xi32>
        tpu.vector_store_idx %arg7[%add3A_672], %add3A_669 : memref<64800xf32, #tpu.memory_space<vmem>>[vector<16xi32>], vector<16xf32>,
        %mul3A_673 = arith.constant -0.44721359 : f32
        %mul3A_674 = vector.broadcast %mul3A_673 : f32 to vector<16xf32>
        %mul3A_675 = arith.mulf %mul3A_546, %mul3A_674 : vector<16xf32>
        %mul3A_676 = arith.constant -0.774596691 : f32
        %mul3A_677 = vector.broadcast %mul3A_676 : f32 to vector<16xf32>
        %mul3A_678 = arith.mulf %mul3A_550, %mul3A_677 : vector<16xf32>
        %add3A_679 = arith.addf %mul3A_675, %mul3A_678 : vector<16xf32>
        %mul3A_680 = arith.constant -0.44721359 : f32
        %mul3A_681 = vector.broadcast %mul3A_680 : f32 to vector<16xf32>
        %mul3A_682 = arith.mulf %mul3A_555, %mul3A_681 : vector<16xf32>
        %add3A_683 = arith.addf %add3A_679, %mul3A_682 : vector<16xf32>
        %add3A_684 = arith.constant 61 : i32
        %add3A_685 = vector.broadcast %add3A_684 : i32 to vector<16xi32>
        %add3A_686 = arith.addi %add3A_50, %add3A_685 : vector<16xi32>
        tpu.vector_store_idx %arg7[%add3A_686], %add3A_683 : memref<64800xf32, #tpu.memory_space<vmem>>[vector<16xi32>], vector<16xf32>,
        %mul3A_687 = arith.constant 0.632455527 : f32
        %mul3A_688 = vector.broadcast %mul3A_687 : f32 to vector<16xf32>
        %mul3A_689 = arith.mulf %mul3A_563, %mul3A_688 : vector<16xf32>
        %mul3A_690 = arith.constant 0.730296731 : f32
        %mul3A_691 = vector.broadcast %mul3A_690 : f32 to vector<16xf32>
        %mul3A_692 = arith.mulf %mul3A_567, %mul3A_691 : vector<16xf32>
        %add3A_693 = arith.addf %mul3A_689, %mul3A_692 : vector<16xf32>
        %mul3A_694 = arith.constant 0.258198887 : f32
        %mul3A_695 = vector.broadcast %mul3A_694 : f32 to vector<16xf32>
        %mul3A_696 = arith.mulf %mul3A_572, %mul3A_695 : vector<16xf32>
        %add3A_697 = arith.addf %add3A_693, %mul3A_696 : vector<16xf32>
        %add3A_698 = arith.constant 62 : i32
        %add3A_699 = vector.broadcast %add3A_698 : i32 to vector<16xi32>
        %add3A_700 = arith.addi %add3A_50, %add3A_699 : vector<16xi32>
        tpu.vector_store_idx %arg7[%add3A_700], %add3A_697 : memref<64800xf32, #tpu.memory_space<vmem>>[vector<16xi32>], vector<16xf32>,
        %mul3A_701 = arith.constant -0.816496611 : f32
        %mul3A_702 = vector.broadcast %mul3A_701 : f32 to vector<16xf32>
        %mul3A_703 = arith.mulf %mul3A_630, %mul3A_702 : vector<16xf32>
        %mul3A_704 = arith.constant -0.577350259 : f32
        %mul3A_705 = vector.broadcast %mul3A_704 : f32 to vector<16xf32>
        %mul3A_706 = arith.mulf %mul3A_634, %mul3A_705 : vector<16xf32>
        %add3A_707 = arith.addf %mul3A_703, %mul3A_706 : vector<16xf32>
        %add3A_708 = arith.constant 63 : i32
        %add3A_709 = vector.broadcast %add3A_708 : i32 to vector<16xi32>
        %add3A_710 = arith.addi %add3A_50, %add3A_709 : vector<16xi32>
        tpu.vector_store_idx %arg7[%add3A_710], %add3A_707 : memref<64800xf32, #tpu.memory_space<vmem>>[vector<16xi32>], vector<16xf32>,
        %mul3A_711 = arith.mulf %gather3A_69, %gather3A_93 : vector<16xf32>
        %mul3A_712 = arith.constant 1.000000e+00 : f32
        %mul3A_713 = vector.broadcast %mul3A_712 : f32 to vector<16xf32>
        %mul3A_714 = arith.mulf %mul3A_711, %mul3A_713 : vector<16xf32>
        %add3A_715 = arith.constant 64 : i32
        %add3A_716 = vector.broadcast %add3A_715 : i32 to vector<16xi32>
        %add3A_717 = arith.addi %add3A_50, %add3A_716 : vector<16xi32>
        tpu.vector_store_idx %arg7[%add3A_717], %mul3A_714 : memref<64800xf32, #tpu.memory_space<vmem>>[vector<16xi32>], vector<16xf32>,
        %mul3A_718 = arith.mulf %gather3A_85, %gather3A_105 : vector<16xf32>
        %mul3A_719 = arith.constant 0.44721359 : f32
        %mul3A_720 = vector.broadcast %mul3A_719 : f32 to vector<16xf32>
        %mul3A_721 = arith.mulf %mul3A_718, %mul3A_720 : vector<16xf32>
        %mul3A_722 = arith.mulf %gather3A_81, %gather3A_109 : vector<16xf32>
        %mul3A_723 = arith.constant -0.44721359 : f32
        %mul3A_724 = vector.broadcast %mul3A_723 : f32 to vector<16xf32>
        %mul3A_725 = arith.mulf %mul3A_722, %mul3A_724 : vector<16xf32>
        %add3A_726 = arith.addf %mul3A_721, %mul3A_725 : vector<16xf32>
        %mul3A_727 = arith.mulf %gather3A_77, %gather3A_113 : vector<16xf32>
        %mul3A_728 = arith.constant 0.44721359 : f32
        %mul3A_729 = vector.broadcast %mul3A_728 : f32 to vector<16xf32>
        %mul3A_730 = arith.mulf %mul3A_727, %mul3A_729 : vector<16xf32>
        %add3A_731 = arith.addf %add3A_726, %mul3A_730 : vector<16xf32>
        %mul3A_732 = arith.mulf %gather3A_73, %gather3A_117 : vector<16xf32>
        %mul3A_733 = arith.constant -0.44721359 : f32
        %mul3A_734 = vector.broadcast %mul3A_733 : f32 to vector<16xf32>
        %mul3A_735 = arith.mulf %mul3A_732, %mul3A_734 : vector<16xf32>
        %add3A_736 = arith.addf %add3A_731, %mul3A_735 : vector<16xf32>
        %mul3A_737 = arith.mulf %gather3A_69, %gather3A_121 : vector<16xf32>
        %mul3A_738 = arith.constant 0.44721359 : f32
        %mul3A_739 = vector.broadcast %mul3A_738 : f32 to vector<16xf32>
        %mul3A_740 = arith.mulf %mul3A_737, %mul3A_739 : vector<16xf32>
        %add3A_741 = arith.addf %add3A_736, %mul3A_740 : vector<16xf32>
        %add3A_742 = arith.constant 2 : i32
        %add3A_743 = vector.broadcast %add3A_742 : i32 to vector<16xi32>
        %add3A_744 = arith.addi %add3A_50, %add3A_743 : vector<16xi32>
        tpu.vector_store_idx %arg7[%add3A_744], %add3A_741 : memref<64800xf32, #tpu.memory_space<vmem>>[vector<16xi32>], vector<16xf32>,
        %mul3A_745 = arith.mulf %gather3A_85, %gather3A_109 : vector<16xf32>
        %mul3A_746 = arith.constant -0.44721359 : f32
        %mul3A_747 = vector.broadcast %mul3A_746 : f32 to vector<16xf32>
        %mul3A_748 = arith.mulf %mul3A_745, %mul3A_747 : vector<16xf32>
        %mul3A_749 = arith.mulf %gather3A_81, %gather3A_113 : vector<16xf32>
        %mul3A_750 = arith.constant 0.547722578 : f32
        %mul3A_751 = vector.broadcast %mul3A_750 : f32 to vector<16xf32>
        %mul3A_752 = arith.mulf %mul3A_749, %mul3A_751 : vector<16xf32>
        %add3A_753 = arith.addf %mul3A_748, %mul3A_752 : vector<16xf32>
        %mul3A_754 = arith.mulf %gather3A_77, %gather3A_117 : vector<16xf32>
        %mul3A_755 = arith.constant -0.547722578 : f32
        %mul3A_756 = vector.broadcast %mul3A_755 : f32 to vector<16xf32>
        %mul3A_757 = arith.mulf %mul3A_754, %mul3A_756 : vector<16xf32>
        %add3A_758 = arith.addf %add3A_753, %mul3A_757 : vector<16xf32>
        %mul3A_759 = arith.mulf %gather3A_73, %gather3A_121 : vector<16xf32>
        %mul3A_760 = arith.constant 0.44721359 : f32
        %mul3A_761 = vector.broadcast %mul3A_760 : f32 to vector<16xf32>
        %mul3A_762 = arith.mulf %mul3A_759, %mul3A_761 : vector<16xf32>
        %add3A_763 = arith.addf %add3A_758, %mul3A_762 : vector<16xf32>
        %add3A_764 = arith.constant 18 : i32
        %add3A_765 = vector.broadcast %add3A_764 : i32 to vector<16xi32>
        %add3A_766 = arith.addi %add3A_50, %add3A_765 : vector<16xi32>
        tpu.vector_store_idx %arg7[%add3A_766], %add3A_763 : memref<64800xf32, #tpu.memory_space<vmem>>[vector<16xi32>], vector<16xf32>,
        %mul3A_767 = arith.constant 0.632455527 : f32
        %mul3A_768 = vector.broadcast %mul3A_767 : f32 to vector<16xf32>
        %mul3A_769 = arith.mulf %mul3A_718, %mul3A_768 : vector<16xf32>
        %mul3A_770 = arith.constant -0.316227764 : f32
        %mul3A_771 = vector.broadcast %mul3A_770 : f32 to vector<16xf32>
        %mul3A_772 = arith.mulf %mul3A_722, %mul3A_771 : vector<16xf32>
        %add3A_773 = arith.addf %mul3A_769, %mul3A_772 : vector<16xf32>
        %mul3A_774 = arith.constant 0.316227764 : f32
        %mul3A_775 = vector.broadcast %mul3A_774 : f32 to vector<16xf32>
        %mul3A_776 = arith.mulf %mul3A_732, %mul3A_775 : vector<16xf32>
        %add3A_777 = arith.addf %add3A_773, %mul3A_776 : vector<16xf32>
        %mul3A_778 = arith.constant -0.632455527 : f32
        %mul3A_779 = vector.broadcast %mul3A_778 : f32 to vector<16xf32>
        %mul3A_780 = arith.mulf %mul3A_737, %mul3A_779 : vector<16xf32>
        %add3A_781 = arith.addf %add3A_777, %mul3A_780 : vector<16xf32>
        %add3A_782 = arith.constant 19 : i32
        %add3A_783 = vector.broadcast %add3A_782 : i32 to vector<16xi32>
        %add3A_784 = arith.addi %add3A_50, %add3A_783 : vector<16xi32>
        tpu.vector_store_idx %arg7[%add3A_784], %add3A_781 : memref<64800xf32, #tpu.memory_space<vmem>>[vector<16xi32>], vector<16xf32>,
        %mul3A_785 = arith.mulf %gather3A_81, %gather3A_105 : vector<16xf32>
        %mul3A_786 = arith.constant -0.44721359 : f32
        %mul3A_787 = vector.broadcast %mul3A_786 : f32 to vector<16xf32>
        %mul3A_788 = arith.mulf %mul3A_785, %mul3A_787 : vector<16xf32>
        %mul3A_789 = arith.mulf %gather3A_77, %gather3A_109 : vector<16xf32>
        %mul3A_790 = arith.constant 0.547722578 : f32
        %mul3A_791 = vector.broadcast %mul3A_790 : f32 to vector<16xf32>
        %mul3A_792 = arith.mulf %mul3A_789, %mul3A_791 : vector<16xf32>
        %add3A_793 = arith.addf %mul3A_788, %mul3A_792 : vector<16xf32>
        %mul3A_794 = arith.mulf %gather3A_73, %gather3A_113 : vector<16xf32>
        %mul3A_795 = arith.constant -0.547722578 : f32
        %mul3A_796 = vector.broadcast %mul3A_795 : f32 to vector<16xf32>
        %mul3A_797 = arith.mulf %mul3A_794, %mul3A_796 : vector<16xf32>
        %add3A_798 = arith.addf %add3A_793, %mul3A_797 : vector<16xf32>
        %mul3A_799 = arith.mulf %gather3A_69, %gather3A_117 : vector<16xf32>
        %mul3A_800 = arith.constant 0.44721359 : f32
        %mul3A_801 = vector.broadcast %mul3A_800 : f32 to vector<16xf32>
        %mul3A_802 = arith.mulf %mul3A_799, %mul3A_801 : vector<16xf32>
        %add3A_803 = arith.addf %add3A_798, %mul3A_802 : vector<16xf32>
        %add3A_804 = arith.constant 20 : i32
        %add3A_805 = vector.broadcast %add3A_804 : i32 to vector<16xi32>
        %add3A_806 = arith.addi %add3A_50, %add3A_805 : vector<16xi32>
        tpu.vector_store_idx %arg7[%add3A_806], %add3A_803 : memref<64800xf32, #tpu.memory_space<vmem>>[vector<16xi32>], vector<16xf32>,
        %mul3A_807 = arith.mulf %gather3A_85, %gather3A_113 : vector<16xf32>
        %mul3A_808 = arith.constant 0.534522474 : f32
        %mul3A_809 = vector.broadcast %mul3A_808 : f32 to vector<16xf32>
        %mul3A_810 = arith.mulf %mul3A_807, %mul3A_809 : vector<16xf32>
        %mul3A_811 = arith.mulf %gather3A_81, %gather3A_117 : vector<16xf32>
        %mul3A_812 = arith.constant -0.654653668 : f32
        %mul3A_813 = vector.broadcast %mul3A_812 : f32 to vector<16xf32>
        %mul3A_814 = arith.mulf %mul3A_811, %mul3A_813 : vector<16xf32>
        %add3A_815 = arith.addf %mul3A_810, %mul3A_814 : vector<16xf32>
        %mul3A_816 = arith.mulf %gather3A_77, %gather3A_121 : vector<16xf32>
        %mul3A_817 = arith.constant 0.534522474 : f32
        %mul3A_818 = vector.broadcast %mul3A_817 : f32 to vector<16xf32>
        %mul3A_819 = arith.mulf %mul3A_816, %mul3A_818 : vector<16xf32>
        %add3A_820 = arith.addf %add3A_815, %mul3A_819 : vector<16xf32>
        %add3A_821 = arith.constant 46 : i32
        %add3A_822 = vector.broadcast %add3A_821 : i32 to vector<16xi32>
        %add3A_823 = arith.addi %add3A_50, %add3A_822 : vector<16xi32>
        tpu.vector_store_idx %arg7[%add3A_823], %add3A_820 : memref<64800xf32, #tpu.memory_space<vmem>>[vector<16xi32>], vector<16xf32>,
        %mul3A_824 = arith.constant -0.654653668 : f32
        %mul3A_825 = vector.broadcast %mul3A_824 : f32 to vector<16xf32>
        %mul3A_826 = arith.mulf %mul3A_745, %mul3A_825 : vector<16xf32>
        %mul3A_827 = arith.constant 0.267261237 : f32
        %mul3A_828 = vector.broadcast %mul3A_827 : f32 to vector<16xf32>
        %mul3A_829 = arith.mulf %mul3A_749, %mul3A_828 : vector<16xf32>
        %add3A_830 = arith.addf %mul3A_826, %mul3A_829 : vector<16xf32>
        %mul3A_831 = arith.constant 0.267261237 : f32
        %mul3A_832 = vector.broadcast %mul3A_831 : f32 to vector<16xf32>
        %mul3A_833 = arith.mulf %mul3A_754, %mul3A_832 : vector<16xf32>
        %add3A_834 = arith.addf %add3A_830, %mul3A_833 : vector<16xf32>
        %mul3A_835 = arith.constant -0.654653668 : f32
        %mul3A_836 = vector.broadcast %mul3A_835 : f32 to vector<16xf32>
        %mul3A_837 = arith.mulf %mul3A_759, %mul3A_836 : vector<16xf32>
        %add3A_838 = arith.addf %add3A_834, %mul3A_837 : vector<16xf32>
        %add3A_839 = arith.constant 47 : i32
        %add3A_840 = vector.broadcast %add3A_839 : i32 to vector<16xi32>
        %add3A_841 = arith.addi %add3A_50, %add3A_840 : vector<16xi32>
        tpu.vector_store_idx %arg7[%add3A_841], %add3A_838 : memref<64800xf32, #tpu.memory_space<vmem>>[vector<16xi32>], vector<16xf32>,
        %mul3A_842 = arith.constant 0.534522474 : f32
        %mul3A_843 = vector.broadcast %mul3A_842 : f32 to vector<16xf32>
        %mul3A_844 = arith.mulf %mul3A_718, %mul3A_843 : vector<16xf32>
        %mul3A_845 = arith.constant 0.267261237 : f32
        %mul3A_846 = vector.broadcast %mul3A_845 : f32 to vector<16xf32>
        %mul3A_847 = arith.mulf %mul3A_722, %mul3A_846 : vector<16xf32>
        %add3A_848 = arith.addf %mul3A_844, %mul3A_847 : vector<16xf32>
        %mul3A_849 = arith.constant -0.534522474 : f32
        %mul3A_850 = vector.broadcast %mul3A_849 : f32 to vector<16xf32>
        %mul3A_851 = arith.mulf %mul3A_727, %mul3A_850 : vector<16xf32>
        %add3A_852 = arith.addf %add3A_848, %mul3A_851 : vector<16xf32>
        %mul3A_853 = arith.constant 0.267261237 : f32
        %mul3A_854 = vector.broadcast %mul3A_853 : f32 to vector<16xf32>
        %mul3A_855 = arith.mulf %mul3A_732, %mul3A_854 : vector<16xf32>
        %add3A_856 = arith.addf %add3A_852, %mul3A_855 : vector<16xf32>
        %mul3A_857 = arith.constant 0.534522474 : f32
        %mul3A_858 = vector.broadcast %mul3A_857 : f32 to vector<16xf32>
        %mul3A_859 = arith.mulf %mul3A_737, %mul3A_858 : vector<16xf32>
        %add3A_860 = arith.addf %add3A_856, %mul3A_859 : vector<16xf32>
        %add3A_861 = arith.constant 48 : i32
        %add3A_862 = vector.broadcast %add3A_861 : i32 to vector<16xi32>
        %add3A_863 = arith.addi %add3A_50, %add3A_862 : vector<16xi32>
        tpu.vector_store_idx %arg7[%add3A_863], %add3A_860 : memref<64800xf32, #tpu.memory_space<vmem>>[vector<16xi32>], vector<16xf32>,
        %mul3A_864 = arith.constant -0.654653668 : f32
        %mul3A_865 = vector.broadcast %mul3A_864 : f32 to vector<16xf32>
        %mul3A_866 = arith.mulf %mul3A_785, %mul3A_865 : vector<16xf32>
        %mul3A_867 = arith.constant 0.267261237 : f32
        %mul3A_868 = vector.broadcast %mul3A_867 : f32 to vector<16xf32>
        %mul3A_869 = arith.mulf %mul3A_789, %mul3A_868 : vector<16xf32>
        %add3A_870 = arith.addf %mul3A_866, %mul3A_869 : vector<16xf32>
        %mul3A_871 = arith.constant 0.267261237 : f32
        %mul3A_872 = vector.broadcast %mul3A_871 : f32 to vector<16xf32>
        %mul3A_873 = arith.mulf %mul3A_794, %mul3A_872 : vector<16xf32>
        %add3A_874 = arith.addf %add3A_870, %mul3A_873 : vector<16xf32>
        %mul3A_875 = arith.constant -0.654653668 : f32
        %mul3A_876 = vector.broadcast %mul3A_875 : f32 to vector<16xf32>
        %mul3A_877 = arith.mulf %mul3A_799, %mul3A_876 : vector<16xf32>
        %add3A_878 = arith.addf %add3A_874, %mul3A_877 : vector<16xf32>
        %add3A_879 = arith.constant 49 : i32
        %add3A_880 = vector.broadcast %add3A_879 : i32 to vector<16xi32>
        %add3A_881 = arith.addi %add3A_50, %add3A_880 : vector<16xi32>
        tpu.vector_store_idx %arg7[%add3A_881], %add3A_878 : memref<64800xf32, #tpu.memory_space<vmem>>[vector<16xi32>], vector<16xf32>,
        %mul3A_882 = arith.mulf %gather3A_77, %gather3A_105 : vector<16xf32>
        %mul3A_883 = arith.constant 0.534522474 : f32
        %mul3A_884 = vector.broadcast %mul3A_883 : f32 to vector<16xf32>
        %mul3A_885 = arith.mulf %mul3A_882, %mul3A_884 : vector<16xf32>
        %mul3A_886 = arith.mulf %gather3A_73, %gather3A_109 : vector<16xf32>
        %mul3A_887 = arith.constant -0.654653668 : f32
        %mul3A_888 = vector.broadcast %mul3A_887 : f32 to vector<16xf32>
        %mul3A_889 = arith.mulf %mul3A_886, %mul3A_888 : vector<16xf32>
        %add3A_890 = arith.addf %mul3A_885, %mul3A_889 : vector<16xf32>
        %mul3A_891 = arith.mulf %gather3A_69, %gather3A_113 : vector<16xf32>
        %mul3A_892 = arith.constant 0.534522474 : f32
        %mul3A_893 = vector.broadcast %mul3A_892 : f32 to vector<16xf32>
        %mul3A_894 = arith.mulf %mul3A_891, %mul3A_893 : vector<16xf32>
        %add3A_895 = arith.addf %add3A_890, %mul3A_894 : vector<16xf32>
        %add3A_896 = arith.constant 50 : i32
        %add3A_897 = vector.broadcast %add3A_896 : i32 to vector<16xi32>
        %add3A_898 = arith.addi %add3A_50, %add3A_897 : vector<16xi32>
        tpu.vector_store_idx %arg7[%add3A_898], %add3A_895 : memref<64800xf32, #tpu.memory_space<vmem>>[vector<16xi32>], vector<16xf32>,
        %mul3A_899 = arith.mulf %gather3A_85, %gather3A_117 : vector<16xf32>
        %mul3A_900 = arith.constant -0.707106769 : f32
        %mul3A_901 = vector.broadcast %mul3A_900 : f32 to vector<16xf32>
        %mul3A_902 = arith.mulf %mul3A_899, %mul3A_901 : vector<16xf32>
        %mul3A_903 = arith.mulf %gather3A_81, %gather3A_121 : vector<16xf32>
        %mul3A_904 = arith.constant 0.707106769 : f32
        %mul3A_905 = vector.broadcast %mul3A_904 : f32 to vector<16xf32>
        %mul3A_906 = arith.mulf %mul3A_903, %mul3A_905 : vector<16xf32>
        %add3A_907 = arith.addf %mul3A_902, %mul3A_906 : vector<16xf32>
        %add3A_908 = arith.constant 65 : i32
        %add3A_909 = vector.broadcast %add3A_908 : i32 to vector<16xi32>
        %add3A_910 = arith.addi %add3A_50, %add3A_909 : vector<16xi32>
        tpu.vector_store_idx %arg7[%add3A_910], %add3A_907 : memref<64800xf32, #tpu.memory_space<vmem>>[vector<16xi32>], vector<16xf32>,
        %mul3A_911 = arith.constant 0.707106769 : f32
        %mul3A_912 = vector.broadcast %mul3A_911 : f32 to vector<16xf32>
        %mul3A_913 = arith.mulf %mul3A_807, %mul3A_912 : vector<16xf32>
        %mul3A_914 = arith.constant -0.707106769 : f32
        %mul3A_915 = vector.broadcast %mul3A_914 : f32 to vector<16xf32>
        %mul3A_916 = arith.mulf %mul3A_816, %mul3A_915 : vector<16xf32>
        %add3A_917 = arith.addf %mul3A_913, %mul3A_916 : vector<16xf32>
        %add3A_918 = arith.constant 66 : i32
        %add3A_919 = vector.broadcast %add3A_918 : i32 to vector<16xi32>
        %add3A_920 = arith.addi %add3A_50, %add3A_919 : vector<16xi32>
        tpu.vector_store_idx %arg7[%add3A_920], %add3A_917 : memref<64800xf32, #tpu.memory_space<vmem>>[vector<16xi32>], vector<16xf32>,
        %mul3A_921 = arith.constant -0.547722578 : f32
        %mul3A_922 = vector.broadcast %mul3A_921 : f32 to vector<16xf32>
        %mul3A_923 = arith.mulf %mul3A_745, %mul3A_922 : vector<16xf32>
        %mul3A_924 = arith.constant -0.44721359 : f32
        %mul3A_925 = vector.broadcast %mul3A_924 : f32 to vector<16xf32>
        %mul3A_926 = arith.mulf %mul3A_749, %mul3A_925 : vector<16xf32>
        %add3A_927 = arith.addf %mul3A_923, %mul3A_926 : vector<16xf32>
        %mul3A_928 = arith.constant 0.44721359 : f32
        %mul3A_929 = vector.broadcast %mul3A_928 : f32 to vector<16xf32>
        %mul3A_930 = arith.mulf %mul3A_754, %mul3A_929 : vector<16xf32>
        %add3A_931 = arith.addf %add3A_927, %mul3A_930 : vector<16xf32>
        %mul3A_932 = arith.constant 0.547722578 : f32
        %mul3A_933 = vector.broadcast %mul3A_932 : f32 to vector<16xf32>
        %mul3A_934 = arith.mulf %mul3A_759, %mul3A_933 : vector<16xf32>
        %add3A_935 = arith.addf %add3A_931, %mul3A_934 : vector<16xf32>
        %add3A_936 = arith.constant 67 : i32
        %add3A_937 = vector.broadcast %add3A_936 : i32 to vector<16xi32>
        %add3A_938 = arith.addi %add3A_50, %add3A_937 : vector<16xi32>
        tpu.vector_store_idx %arg7[%add3A_938], %add3A_935 : memref<64800xf32, #tpu.memory_space<vmem>>[vector<16xi32>], vector<16xf32>,
        %mul3A_939 = arith.constant 0.316227764 : f32
        %mul3A_940 = vector.broadcast %mul3A_939 : f32 to vector<16xf32>
        %mul3A_941 = arith.mulf %mul3A_718, %mul3A_940 : vector<16xf32>
        %mul3A_942 = arith.constant 0.632455527 : f32
        %mul3A_943 = vector.broadcast %mul3A_942 : f32 to vector<16xf32>
        %mul3A_944 = arith.mulf %mul3A_722, %mul3A_943 : vector<16xf32>
        %add3A_945 = arith.addf %mul3A_941, %mul3A_944 : vector<16xf32>
        %mul3A_946 = arith.constant -0.632455527 : f32
        %mul3A_947 = vector.broadcast %mul3A_946 : f32 to vector<16xf32>
        %mul3A_948 = arith.mulf %mul3A_732, %mul3A_947 : vector<16xf32>
        %add3A_949 = arith.addf %add3A_945, %mul3A_948 : vector<16xf32>
        %mul3A_950 = arith.constant -0.316227764 : f32
        %mul3A_951 = vector.broadcast %mul3A_950 : f32 to vector<16xf32>
        %mul3A_952 = arith.mulf %mul3A_737, %mul3A_951 : vector<16xf32>
        %add3A_953 = arith.addf %add3A_949, %mul3A_952 : vector<16xf32>
        %add3A_954 = arith.constant 68 : i32
        %add3A_955 = vector.broadcast %add3A_954 : i32 to vector<16xi32>
        %add3A_956 = arith.addi %add3A_50, %add3A_955 : vector<16xi32>
        tpu.vector_store_idx %arg7[%add3A_956], %add3A_953 : memref<64800xf32, #tpu.memory_space<vmem>>[vector<16xi32>], vector<16xf32>,
        %mul3A_957 = arith.constant -0.547722578 : f32
        %mul3A_958 = vector.broadcast %mul3A_957 : f32 to vector<16xf32>
        %mul3A_959 = arith.mulf %mul3A_785, %mul3A_958 : vector<16xf32>
        %mul3A_960 = arith.constant -0.44721359 : f32
        %mul3A_961 = vector.broadcast %mul3A_960 : f32 to vector<16xf32>
        %mul3A_962 = arith.mulf %mul3A_789, %mul3A_961 : vector<16xf32>
        %add3A_963 = arith.addf %mul3A_959, %mul3A_962 : vector<16xf32>
        %mul3A_964 = arith.constant 0.44721359 : f32
        %mul3A_965 = vector.broadcast %mul3A_964 : f32 to vector<16xf32>
        %mul3A_966 = arith.mulf %mul3A_794, %mul3A_965 : vector<16xf32>
        %add3A_967 = arith.addf %add3A_963, %mul3A_966 : vector<16xf32>
        %mul3A_968 = arith.constant 0.547722578 : f32
        %mul3A_969 = vector.broadcast %mul3A_968 : f32 to vector<16xf32>
        %mul3A_970 = arith.mulf %mul3A_799, %mul3A_969 : vector<16xf32>
        %add3A_971 = arith.addf %add3A_967, %mul3A_970 : vector<16xf32>
        %add3A_972 = arith.constant 69 : i32
        %add3A_973 = vector.broadcast %add3A_972 : i32 to vector<16xi32>
        %add3A_974 = arith.addi %add3A_50, %add3A_973 : vector<16xi32>
        tpu.vector_store_idx %arg7[%add3A_974], %add3A_971 : memref<64800xf32, #tpu.memory_space<vmem>>[vector<16xi32>], vector<16xf32>,
        %mul3A_975 = arith.constant 0.707106769 : f32
        %mul3A_976 = vector.broadcast %mul3A_975 : f32 to vector<16xf32>
        %mul3A_977 = arith.mulf %mul3A_882, %mul3A_976 : vector<16xf32>
        %mul3A_978 = arith.constant -0.707106769 : f32
        %mul3A_979 = vector.broadcast %mul3A_978 : f32 to vector<16xf32>
        %mul3A_980 = arith.mulf %mul3A_891, %mul3A_979 : vector<16xf32>
        %add3A_981 = arith.addf %mul3A_977, %mul3A_980 : vector<16xf32>
        %add3A_982 = arith.constant 70 : i32
        %add3A_983 = vector.broadcast %add3A_982 : i32 to vector<16xi32>
        %add3A_984 = arith.addi %add3A_50, %add3A_983 : vector<16xi32>
        tpu.vector_store_idx %arg7[%add3A_984], %add3A_981 : memref<64800xf32, #tpu.memory_space<vmem>>[vector<16xi32>], vector<16xf32>,
        %mul3A_985 = arith.mulf %gather3A_73, %gather3A_105 : vector<16xf32>
        %mul3A_986 = arith.constant -0.707106769 : f32
        %mul3A_987 = vector.broadcast %mul3A_986 : f32 to vector<16xf32>
        %mul3A_988 = arith.mulf %mul3A_985, %mul3A_987 : vector<16xf32>
        %mul3A_989 = arith.mulf %gather3A_69, %gather3A_109 : vector<16xf32>
        %mul3A_990 = arith.constant 0.707106769 : f32
        %mul3A_991 = vector.broadcast %mul3A_990 : f32 to vector<16xf32>
        %mul3A_992 = arith.mulf %mul3A_989, %mul3A_991 : vector<16xf32>
        %add3A_993 = arith.addf %mul3A_988, %mul3A_992 : vector<16xf32>
        %add3A_994 = arith.constant 71 : i32
        %add3A_995 = vector.broadcast %add3A_994 : i32 to vector<16xi32>
        %add3A_996 = arith.addi %add3A_50, %add3A_995 : vector<16xi32>
        tpu.vector_store_idx %arg7[%add3A_996], %add3A_993 : memref<64800xf32, #tpu.memory_space<vmem>>[vector<16xi32>], vector<16xf32>,
        %mul3A_997 = arith.mulf %gather3A_85, %gather3A_121 : vector<16xf32>
        %mul3A_998 = arith.constant 1.000000e+00 : f32
        %mul3A_999 = vector.broadcast %mul3A_998 : f32 to vector<16xf32>
        %mul3A_1000 = arith.mulf %mul3A_997, %mul3A_999 : vector<16xf32>
        %add3A_1001 = arith.constant 72 : i32
        %add3A_1002 = vector.broadcast %add3A_1001 : i32 to vector<16xi32>
        %add3A_1003 = arith.addi %add3A_50, %add3A_1002 : vector<16xi32>
        tpu.vector_store_idx %arg7[%add3A_1003], %mul3A_1000 : memref<64800xf32, #tpu.memory_space<vmem>>[vector<16xi32>], vector<16xf32>,
        %mul3A_1004 = arith.constant -0.707106769 : f32
        %mul3A_1005 = vector.broadcast %mul3A_1004 : f32 to vector<16xf32>
        %mul3A_1006 = arith.mulf %mul3A_899, %mul3A_1005 : vector<16xf32>
        %mul3A_1007 = arith.constant -0.707106769 : f32
        %mul3A_1008 = vector.broadcast %mul3A_1007 : f32 to vector<16xf32>
        %mul3A_1009 = arith.mulf %mul3A_903, %mul3A_1008 : vector<16xf32>
        %add3A_1010 = arith.addf %mul3A_1006, %mul3A_1009 : vector<16xf32>
        %add3A_1011 = arith.constant 73 : i32
        %add3A_1012 = vector.broadcast %add3A_1011 : i32 to vector<16xi32>
        %add3A_1013 = arith.addi %add3A_50, %add3A_1012 : vector<16xi32>
        tpu.vector_store_idx %arg7[%add3A_1013], %add3A_1010 : memref<64800xf32, #tpu.memory_space<vmem>>[vector<16xi32>], vector<16xf32>,
        %mul3A_1014 = arith.constant 0.462910056 : f32
        %mul3A_1015 = vector.broadcast %mul3A_1014 : f32 to vector<16xf32>
        %mul3A_1016 = arith.mulf %mul3A_807, %mul3A_1015 : vector<16xf32>
        %mul3A_1017 = arith.constant 0.755928933 : f32
        %mul3A_1018 = vector.broadcast %mul3A_1017 : f32 to vector<16xf32>
        %mul3A_1019 = arith.mulf %mul3A_811, %mul3A_1018 : vector<16xf32>
        %add3A_1020 = arith.addf %mul3A_1016, %mul3A_1019 : vector<16xf32>
        %mul3A_1021 = arith.constant 0.462910056 : f32
        %mul3A_1022 = vector.broadcast %mul3A_1021 : f32 to vector<16xf32>
        %mul3A_1023 = arith.mulf %mul3A_816, %mul3A_1022 : vector<16xf32>
        %add3A_1024 = arith.addf %add3A_1020, %mul3A_1023 : vector<16xf32>
        %add3A_1025 = arith.constant 74 : i32
        %add3A_1026 = vector.broadcast %add3A_1025 : i32 to vector<16xi32>
        %add3A_1027 = arith.addi %add3A_50, %add3A_1026 : vector<16xi32>
        tpu.vector_store_idx %arg7[%add3A_1027], %add3A_1024 : memref<64800xf32, #tpu.memory_space<vmem>>[vector<16xi32>], vector<16xf32>,
        %mul3A_1028 = arith.constant -0.267261237 : f32
        %mul3A_1029 = vector.broadcast %mul3A_1028 : f32 to vector<16xf32>
        %mul3A_1030 = arith.mulf %mul3A_745, %mul3A_1029 : vector<16xf32>
        %mul3A_1031 = arith.constant -0.654653668 : f32
        %mul3A_1032 = vector.broadcast %mul3A_1031 : f32 to vector<16xf32>
        %mul3A_1033 = arith.mulf %mul3A_749, %mul3A_1032 : vector<16xf32>
        %add3A_1034 = arith.addf %mul3A_1030, %mul3A_1033 : vector<16xf32>
        %mul3A_1035 = arith.constant -0.654653668 : f32
        %mul3A_1036 = vector.broadcast %mul3A_1035 : f32 to vector<16xf32>
        %mul3A_1037 = arith.mulf %mul3A_754, %mul3A_1036 : vector<16xf32>
        %add3A_1038 = arith.addf %add3A_1034, %mul3A_1037 : vector<16xf32>
        %mul3A_1039 = arith.constant -0.267261237 : f32
        %mul3A_1040 = vector.broadcast %mul3A_1039 : f32 to vector<16xf32>
        %mul3A_1041 = arith.mulf %mul3A_759, %mul3A_1040 : vector<16xf32>
        %add3A_1042 = arith.addf %add3A_1038, %mul3A_1041 : vector<16xf32>
        %add3A_1043 = arith.constant 75 : i32
        %add3A_1044 = vector.broadcast %add3A_1043 : i32 to vector<16xi32>
        %add3A_1045 = arith.addi %add3A_50, %add3A_1044 : vector<16xi32>
        tpu.vector_store_idx %arg7[%add3A_1045], %add3A_1042 : memref<64800xf32, #tpu.memory_space<vmem>>[vector<16xi32>], vector<16xf32>,
        %mul3A_1046 = arith.constant 0.119522862 : f32
        %mul3A_1047 = vector.broadcast %mul3A_1046 : f32 to vector<16xf32>
        %mul3A_1048 = arith.mulf %mul3A_718, %mul3A_1047 : vector<16xf32>
        %mul3A_1049 = arith.constant 0.478091449 : f32
        %mul3A_1050 = vector.broadcast %mul3A_1049 : f32 to vector<16xf32>
        %mul3A_1051 = arith.mulf %mul3A_722, %mul3A_1050 : vector<16xf32>
        %add3A_1052 = arith.addf %mul3A_1048, %mul3A_1051 : vector<16xf32>
        %mul3A_1053 = arith.constant 0.717137157 : f32
        %mul3A_1054 = vector.broadcast %mul3A_1053 : f32 to vector<16xf32>
        %mul3A_1055 = arith.mulf %mul3A_727, %mul3A_1054 : vector<16xf32>
        %add3A_1056 = arith.addf %add3A_1052, %mul3A_1055 : vector<16xf32>
        %mul3A_1057 = arith.constant 0.478091449 : f32
        %mul3A_1058 = vector.broadcast %mul3A_1057 : f32 to vector<16xf32>
        %mul3A_1059 = arith.mulf %mul3A_732, %mul3A_1058 : vector<16xf32>
        %add3A_1060 = arith.addf %add3A_1056, %mul3A_1059 : vector<16xf32>
        %mul3A_1061 = arith.constant 0.119522862 : f32
        %mul3A_1062 = vector.broadcast %mul3A_1061 : f32 to vector<16xf32>
        %mul3A_1063 = arith.mulf %mul3A_737, %mul3A_1062 : vector<16xf32>
        %add3A_1064 = arith.addf %add3A_1060, %mul3A_1063 : vector<16xf32>
        %add3A_1065 = arith.constant 76 : i32
        %add3A_1066 = vector.broadcast %add3A_1065 : i32 to vector<16xi32>
        %add3A_1067 = arith.addi %add3A_50, %add3A_1066 : vector<16xi32>
        tpu.vector_store_idx %arg7[%add3A_1067], %add3A_1064 : memref<64800xf32, #tpu.memory_space<vmem>>[vector<16xi32>], vector<16xf32>,
        %mul3A_1068 = arith.constant -0.267261237 : f32
        %mul3A_1069 = vector.broadcast %mul3A_1068 : f32 to vector<16xf32>
        %mul3A_1070 = arith.mulf %mul3A_785, %mul3A_1069 : vector<16xf32>
        %mul3A_1071 = arith.constant -0.654653668 : f32
        %mul3A_1072 = vector.broadcast %mul3A_1071 : f32 to vector<16xf32>
        %mul3A_1073 = arith.mulf %mul3A_789, %mul3A_1072 : vector<16xf32>
        %add3A_1074 = arith.addf %mul3A_1070, %mul3A_1073 : vector<16xf32>
        %mul3A_1075 = arith.constant -0.654653668 : f32
        %mul3A_1076 = vector.broadcast %mul3A_1075 : f32 to vector<16xf32>
        %mul3A_1077 = arith.mulf %mul3A_794, %mul3A_1076 : vector<16xf32>
        %add3A_1078 = arith.addf %add3A_1074, %mul3A_1077 : vector<16xf32>
        %mul3A_1079 = arith.constant -0.267261237 : f32
        %mul3A_1080 = vector.broadcast %mul3A_1079 : f32 to vector<16xf32>
        %mul3A_1081 = arith.mulf %mul3A_799, %mul3A_1080 : vector<16xf32>
        %add3A_1082 = arith.addf %add3A_1078, %mul3A_1081 : vector<16xf32>
        %add3A_1083 = arith.constant 77 : i32
        %add3A_1084 = vector.broadcast %add3A_1083 : i32 to vector<16xi32>
        %add3A_1085 = arith.addi %add3A_50, %add3A_1084 : vector<16xi32>
        tpu.vector_store_idx %arg7[%add3A_1085], %add3A_1082 : memref<64800xf32, #tpu.memory_space<vmem>>[vector<16xi32>], vector<16xf32>,
        %mul3A_1086 = arith.constant 0.462910056 : f32
        %mul3A_1087 = vector.broadcast %mul3A_1086 : f32 to vector<16xf32>
        %mul3A_1088 = arith.mulf %mul3A_882, %mul3A_1087 : vector<16xf32>
        %mul3A_1089 = arith.constant 0.755928933 : f32
        %mul3A_1090 = vector.broadcast %mul3A_1089 : f32 to vector<16xf32>
        %mul3A_1091 = arith.mulf %mul3A_886, %mul3A_1090 : vector<16xf32>
        %add3A_1092 = arith.addf %mul3A_1088, %mul3A_1091 : vector<16xf32>
        %mul3A_1093 = arith.constant 0.462910056 : f32
        %mul3A_1094 = vector.broadcast %mul3A_1093 : f32 to vector<16xf32>
        %mul3A_1095 = arith.mulf %mul3A_891, %mul3A_1094 : vector<16xf32>
        %add3A_1096 = arith.addf %add3A_1092, %mul3A_1095 : vector<16xf32>
        %add3A_1097 = arith.constant 78 : i32
        %add3A_1098 = vector.broadcast %add3A_1097 : i32 to vector<16xi32>
        %add3A_1099 = arith.addi %add3A_50, %add3A_1098 : vector<16xi32>
        tpu.vector_store_idx %arg7[%add3A_1099], %add3A_1096 : memref<64800xf32, #tpu.memory_space<vmem>>[vector<16xi32>], vector<16xf32>,
        %mul3A_1100 = arith.constant -0.707106769 : f32
        %mul3A_1101 = vector.broadcast %mul3A_1100 : f32 to vector<16xf32>
        %mul3A_1102 = arith.mulf %mul3A_985, %mul3A_1101 : vector<16xf32>
        %mul3A_1103 = arith.constant -0.707106769 : f32
        %mul3A_1104 = vector.broadcast %mul3A_1103 : f32 to vector<16xf32>
        %mul3A_1105 = arith.mulf %mul3A_989, %mul3A_1104 : vector<16xf32>
        %add3A_1106 = arith.addf %mul3A_1102, %mul3A_1105 : vector<16xf32>
        %add3A_1107 = arith.constant 79 : i32
        %add3A_1108 = vector.broadcast %add3A_1107 : i32 to vector<16xi32>
        %add3A_1109 = arith.addi %add3A_50, %add3A_1108 : vector<16xi32>
        tpu.vector_store_idx %arg7[%add3A_1109], %add3A_1106 : memref<64800xf32, #tpu.memory_space<vmem>>[vector<16xi32>], vector<16xf32>,
        %mul3A_1110 = arith.mulf %gather3A_69, %gather3A_105 : vector<16xf32>
        %mul3A_1111 = arith.constant 1.000000e+00 : f32
        %mul3A_1112 = vector.broadcast %mul3A_1111 : f32 to vector<16xf32>
        %mul3A_1113 = arith.mulf %mul3A_1110, %mul3A_1112 : vector<16xf32>
        %add3A_1114 = arith.constant 80 : i32
        %add3A_1115 = vector.broadcast %add3A_1114 : i32 to vector<16xi32>
        %add3A_1116 = arith.addi %add3A_50, %add3A_1115 : vector<16xi32>
        tpu.vector_store_idx %arg7[%add3A_1116], %mul3A_1113 : memref<64800xf32, #tpu.memory_space<vmem>>[vector<16xi32>], vector<16xf32>,
        %scan3A_1117 = arith.constant 0 : i32
        scf.yield %scan3A_1117 : i32
      }
      %scan3A_33 = arith.constant 50 : i32
      %mul3A_34 = arith.constant 81 : i32
      %mul3A_35 = arith.muli %add3A_22, %mul3A_34 : i32
      "tpu.region"() ({
        %run_scoped3A = tpu.sem_alloc : memref<!tpu.dma_semaphore, #tpu.memory_space<semaphore_mem>>
        %dma_start3A = tpu.memref_slice %arg4[%mul3A_35] : memref<51840000xf32, #tpu.memory_space<hbm>> -> memref<64800xf32, #tpu.memory_space<hbm>>
        %dma_start3A_37 = tpu.memref_slice %arg4[%mul3A_35] : memref<51840000xf32, #tpu.memory_space<hbm>> -> memref<64800xf32, #tpu.memory_space<hbm>>
        tpu.enqueue_dma source(%arg7 : memref<64800xf32, #tpu.memory_space<vmem>>) target(%dma_start3A_37 : memref<64800xf32, #tpu.memory_space<hbm>>) target_semaphore(%run_scoped3A : memref<!tpu.dma_semaphore, #tpu.memory_space<semaphore_mem>>)
        %dma_wait3A = tpu.memref_slice %arg4[%mul3A_35] : memref<51840000xf32, #tpu.memory_space<hbm>> -> memref<64800xf32, #tpu.memory_space<hbm>>
        %dma_wait3A_38 = tpu.memref_slice %arg4[%mul3A_35] : memref<51840000xf32, #tpu.memory_space<hbm>> -> memref<64800xf32, #tpu.memory_space<hbm>>
        tpu.wait_dma2 semaphore(%run_scoped3A : memref<!tpu.dma_semaphore, #tpu.memory_space<semaphore_mem>>) src(%arg7 : memref<64800xf32, #tpu.memory_space<vmem>>) dst(%dma_wait3A_38 : memref<64800xf32, #tpu.memory_space<hbm>>)
        tpu.yield
      }) : () -> ()
      %scan3A_36 = arith.constant 0 : i32
      scf.yield %scan3A_36 : i32
    }
    %scan3A_17 = arith.constant 25 : i32
    return
  }
}

</mosaic_0001>

<sc_bundles>
// kernel: kernel.3.cloned.1.call-start
scs
__scs_entry_jumppad:
0x0: {  	(pc) =	sbr.rel $0x88, $3  }
0x1: {  	(tag) =	ssettag $0x0;
	lr =	simm.s32 $0x1  }
0x2: {  	[smem:$0x3F9F] =	sst lr;
	_ =	strace $0xD0000000  }
0x3: {  	_ = 	snop  }
0x4: {  	_ = 	snop  }
0x5: {  	_ = 	snop  }
0x6: {  	_ = 	snop  }
0x7: {  	_ = 	snop  }
__scs_overlays_trampoline_lowered:
0x8: {  	[smem:$0x3FAE] =	sst s0  }
0x9: {  	[smem:$0x3FAF] =	sst s1  }
0xa: {  	[smem:$0x3FB0] =	sst s2  }
0xb: {  	[smem:$0x3FB1] =	sst s3  }
0xc: {  	[smem:$0x3FB2] =	sst s4  }
0xd: {  	[smem:$0x3FB3] =	sst s5  }
0xe: {  	[smem:$0x3FB4] =	sst s6  }
0xf: {  	[smem:$0x3FB5] =	sst s7  }
0x10: {  	[smem:$0x3FB6] =	sst s8  }
0x11: {  	[smem:$0x3FB7] =	sst s9;
	s0 =	simm.s32 @!p0 $0x0  }
0x12: {  	s1 =	sld [smem:$0x3F9D];
	s0 =	simm.s32 @p0 $0x1  }
0x13: {  	[smem:$0x3FB8] =	sst s0;
	s0 =	simm.s32 @!p1 $0x0  }
0x14: {  	s2 =	sld [smem:$0x3F9C];
	s0 =	simm.s32 @p1 $0x1  }
0x15: {  	[smem:$0x3FB9] =	sst s0;
	s0 =	simm.s32 @!p2 $0x0  }
0x16: {  	s3 =	sld [smem:$0x3FDB];
	s0 =	simm.s32 @p2 $0x1  }
0x17: {  	s4 =	simm.s32 $0x1BF5;
	[smem:$0x3FBB] =	sst s0  }
0x18: {  	s0 =	sld [smem:$0x3F9E];
	_ =	swait.ge [sflag:s4], $0x0  }
0x19: {  	s7 =	sld [smem:$0x3F9F]  }
0x1a: {  	s8 =	sadd.s32 $0xFFFFE003, lr  }
0x1b: {  	s9 =	sadd.s32 $0xFFFFFEF7, lr;
	s5 =	simm.s32 $0xFFFFFFFF;
	p2 =	slt.u32 s8, $0xFFFFF086  }
0x1c: {  	p1 =	slt.u32 s9, $0xF7A;
	s5 =	simm.s32 @!p2 $0x0  }
0x1d: {  	s5 =	simm.s32 @p1 $0x1;
	p0 =	seq.s32 s7, s2  }
0x1e: {  	s7 =	smul.u32 @!p0 $0xF7A, s2;
	p2 =	seq.s32 @!p0 s5, $0x0  }
0x1f: {  	s9 =	smul.u32 $0xF7A, s1;
	s8 =	simm.s32 @!p0 $0x1BF5;
	p2 =	por !p2, p0  }
0x20: {  	[sflag:s8] =	ssyncset.s32 @!p0 $0xFFFFF086;
	s6 =	sadd.s32 @!p0 s3, s7;
	s7 =	simm.s32 @!p0 $0x108  }
0x21: {  	s3 =	sadd.s32 s3, s9;
	s6 =	sadd.s32 @!p0 $0x88, s6;
	s7 =	simm.s32 @p2 $0x1082  }
0x22: {  	[simem:s7], [sflag:s8] =	dma.local @!p0 [hbm:s6], $0xF7A  }
0x23: {  	s9 =	sor.u32 $0xD0000000, s2;
	s6 =	simm.s32 $0x108;
	_ =	swait.ge @!p0 [sflag:s8], $0x0  }
0x24: {  	s3 =	sadd.s32 $0x88, s3;
	s6 =	simm.s32 @!p1 $0x1082;
	[sflag:s4] =	ssyncset.s32 $0xFFFFF086  }
0x25: {  	[simem:s6], [sflag:s4] =	dma.local [hbm:s3], $0xF7A  }
0x26: {  	[smem:$0x3F9F] =	sst s1;
	(tag) =	ssettag s2;
	_ =	strace s9  }
0x27: {  	s1 =	sld [smem:$0x3FAF]  }
0x28: {  	s2 =	sld [smem:$0x3FB0]  }
0x29: {  	s4 =	sld [smem:$0x3FB2]  }
0x2a: {  	p0 =	seq.s32 s5, $0x0;
	s5 =	sld [smem:$0x3FB3]  }
0x2b: {  	s6 =	sld [smem:$0x3FB4]  }
0x2c: {  	s7 =	sld [smem:$0x3FB5]  }
0x2d: {  	s3 =	simm.s32 $0x108;
	s8 =	sld [smem:$0x3FB6]  }
0x2e: {  	s3 =	simm.s32 @!p0 $0x1082;
	s9 =	sld [smem:$0x3FB7]  }
0x2f: {  	lr =	sadd.s32 s0, s3;
	s0 =	sld [smem:$0x3FAE]  }
0x30: {  	s3 =	sld [smem:$0x3FB1]  }
0x31: {  	[smem:$0x3FBA] =	sst s10  }
0x32: {  	s10 =	sld [smem:$0x3FB8];
	_ =	sdelay $0x3  }
0x33: {  	p0 =	seq.s32 s10, $0x1;
	s10 =	sld [smem:$0x3FBA];
	_ =	sdelay $0x3  }
0x34: {  	[smem:$0x3FBA] =	sst s10  }
0x35: {  	s10 =	sld [smem:$0x3FB9];
	_ =	sdelay $0x3  }
0x36: {  	p1 =	seq.s32 s10, $0x1;
	s10 =	sld [smem:$0x3FBA];
	_ =	sdelay $0x3  }
0x37: {  	[smem:$0x3FBA] =	sst s10  }
0x38: {  	s10 =	sld [smem:$0x3FBB]  }
0x39: {  	_ = 	snop;
	(pc) =	sbr.ind lr, $3  }
0x3a: {  	_ = 	snop  }
0x3b: {  	_ = 	snop  }
0x3c: {  	p2 =	seq.s32 s10, $0x1;
	s10 =	sld [smem:$0x3FBA]  }
0x3d: {  	_ =	shalt  }
0x3e: {  	_ =	shalt  }
0x3f: {  	_ =	shalt  }
0x40: {  	_ =	shalt  }
0x41: {  	_ =	shalt  }
0x42: {  	_ =	shalt  }
0x43: {  	_ =	shalt  }
0x44: {  	_ =	shalt  }
0x45: {  	_ =	shalt  }
0x46: {  	_ =	shalt  }
0x47: {  	_ =	shalt  }
0x48: {  	_ =	shalt  }
0x49: {  	_ =	shalt  }
0x4a: {  	_ =	shalt  }
0x4b: {  	_ =	shalt  }
0x4c: {  	_ =	shalt  }
0x4d: {  	_ =	shalt  }
0x4e: {  	_ =	shalt  }
0x4f: {  	_ =	shalt  }
0x50: {  	_ =	shalt  }
0x51: {  	_ =	shalt  }
0x52: {  	_ =	shalt  }
0x53: {  	_ =	shalt  }
0x54: {  	_ =	shalt  }
0x55: {  	_ =	shalt  }
0x56: {  	_ =	shalt  }
0x57: {  	_ =	shalt  }
0x58: {  	_ =	shalt  }
0x59: {  	_ =	shalt  }
0x5a: {  	_ =	shalt  }
0x5b: {  	_ =	shalt  }
0x5c: {  	_ =	shalt  }
0x5d: {  	_ =	shalt  }
0x5e: {  	_ =	shalt  }
0x5f: {  	_ =	shalt  }
0x60: {  	_ =	shalt  }
0x61: {  	_ =	shalt  }
0x62: {  	_ =	shalt  }
0x63: {  	_ =	shalt  }
0x64: {  	_ =	shalt  }
0x65: {  	_ =	shalt  }
0x66: {  	_ =	shalt  }
0x67: {  	_ =	shalt  }
0x68: {  	_ =	shalt  }
0x69: {  	_ =	shalt  }
0x6a: {  	_ =	shalt  }
0x6b: {  	_ =	shalt  }
0x6c: {  	_ =	shalt  }
0x6d: {  	_ =	shalt  }
0x6e: {  	_ =	shalt  }
0x6f: {  	_ =	shalt  }
0x70: {  	_ =	shalt  }
0x71: {  	_ =	shalt  }
0x72: {  	_ =	shalt  }
0x73: {  	_ =	shalt  }
0x74: {  	_ =	shalt  }
0x75: {  	_ =	shalt  }
0x76: {  	_ =	shalt  }
0x77: {  	_ =	shalt  }
0x78: {  	_ =	shalt  }
0x79: {  	_ =	shalt  }
0x7a: {  	_ =	shalt  }
0x7b: {  	_ =	shalt  }
0x7c: {  	_ =	shalt  }
0x7d: {  	_ =	shalt  }
0x7e: {  	_ =	shalt  }
0x7f: {  	_ =	shalt  }
0x80: {  	_ =	shalt  }
0x81: {  	_ =	shalt  }
0x82: {  	_ =	shalt  }
0x83: {  	_ =	shalt  }
0x84: {  	_ =	shalt  }
0x85: {  	_ =	shalt  }
0x86: {  	_ =	shalt  }
0x87: {  	_ =	shalt  }
.Lfunc_end0:
.L_simem_size_0:
called_computation.1_lowered:
.L_overlay_start_0:
0x88: {  	s2 =	sld [smem:$0x3FD9]  }
0x89: {  	s3 =	sld [smem:$0x3FFE];
	_ =	sdelay $0x1  }
0x8a: {  	s1 =	srdreg.scid  }
0x8b: {  	s0 =	sand.u32 $0x1, s1  }
0x8c: {  	s17 =	sshll.u32 s0, $0xA;
	s2 =	sadd.s32 s3, s2  }
0x8d: {  	s2 =	sadd.s32 s2, s17  }
0x8e: {  	[smem:$0x3FC6] =	sst s2  }
0x8f: {  	_ = 	snop  }
0x90: {  	s2 =	sld [smem:$0x3FD0];
	(tm) =	ssettm $0x1  }
0x91: {  	s18 =	sld [smem:$0x3FFB];
	_ =	sdelay $0x3  }
0x92: {  	_ =	strace s18  }
0x93: {  	s3 =	sld [smem:$0x3FFC];
	_ =	sdelay $0x3  }
0x94: {  	_ =	strace s3  }
0x95: {  	s3 =	sld [smem:$0x3FFD];
	_ =	sdelay $0x3  }
0x96: {  	_ =	strace s3  }
0x97: {  	_ =	strace $0x8FFFFFFF  }
0x98: {  	s19 =	sld [smem:$0x3FDB];
	_ =	sdelay $0x1  }
0x99: {  	s4 =	simm.s32 $_scs_section_size  }
0x9a: {  	s5 =	simm.s32 $_size__tile_overlayer_lowered;
	s6 =	simm.s32 $_tile_overlayer_lowered  }
0x9b: {  	s22 =	simm.s32 $0x1BFF;
	s21 =	sshll.u32 s6, $0x1;
	s3 =	sadd.s32 s4, s19  }
0x9c: {  	s7 =	simm.s32 $0x0;
	s20 =	sshll.u32 s5, $0x1;
	s5 =	sadd.s32 s21, s3  }
0x9d: {  	[timem:s7], [sflag:s22] =	dma.local [hbm:s5], s20  }
0x9e: {  	_ =	swait.ge [sflag:s22], s20  }
0x9f: {  	s4 =	ssub.s32 $0x0, s20;
	[sflag:s22] =	ssyncset.done $0x0  }
0xa0: {  	[sflag:s22] =	ssyncadd.s32 s4;
	_ =	sdelay $0x1  }
0xa1: {  	s23 =	simm.s32 $0x1B8B  }
0xa2: {  	_ =	swait.ge [sflag:s23], $0x1  }
0xa3: {  	[sflag:s23] =	ssyncset.done $0x0  }
0xa4: {  	s25 =	simm.s32 $0x1B8E;
	s24 =	sld [smem:$0x3FFE];
	[sflag:s23] =	ssyncadd.s32 $0xFFFFFFFF  }
0xa5: {  	s26 =	simm.s32 $execute0_lowered;
	[smem:$0x3FD2] =	sst s25  }
0xa6: {  	s5 =	sshll.u32 s26, $0x1;
	_ =	strace $0x80000046;
	[dreg:$0x1] =	wrdreg $0xFFFFFFFF  }
0xa7: {  	s28 =	simm.s32 $_size_execute0_lowered;
	s3 =	sadd.s32 s3, s5;
	[dreg:$0x0] =	wrdreg $0x0  }
0xa8: {  	s5 =	sshll.u32 s28, $0x1;
	[dreg:$0x2] =	wrdreg s3  }
0xa9: {  	[dreg:$0x3] =	wrdreg s5  }
0xaa: {  	[dreg:$0x4] =	wrdreg $0xC0  }
0xab: {  	_ =	task [dreg:s7], $0x5FFFF  }
0xac: {  	[dreg:$0x1] =	wrdreg $0xFFFFFFFF  }
0xad: {  	[dreg:$0x0] =	wrdreg $0x60  }
0xae: {  	[dreg:$0x2] =	wrdreg s24  }
0xaf: {  	[dreg:$0x3] =	wrdreg s2  }
0xb0: {  	[dreg:$0x4] =	wrdreg $0x9  }
0xb1: {  	_ =	task.clear_ibuf [dreg:s7], $0x5FFFF;
	_ =	strace $0x90000046  }
0xb2: {  	s29 =	simm.s32 $0x9;
	_ =	strace $0x80000048  }
0xb3: {  	_ =	swait.ge [sflag:s29], $0x1  }
0xb4: {  	[sflag:s29] =	ssyncadd.s32 $0xFFFFFFFF  }
0xb5: {  	_ =	strace $0x90000048  }
0xb6: {  	_ =	sfence  }
0xb7: {  	s30 =	sld [smem:$0x0];
	_ =	sdelay $0x2  }
0xb8: {  	s31 =	sshll.u32 s1, $0xD;
	s1 =	sshrl.u32 s1, $0x2  }
0xb9: {  	s3 =	sand.u32 $0x4000, s31;
	s1 =	sadd.s32 s1, s30  }
0xba: {  	s0 =	sor.u32 s3, s0;
	s1 =	sshll.u32 s1, $0x11  }
0xbb: {  	s0 =	sor.u32 s1, s0  }
0xbc: {  	s0 =	sadd.s32 $0x8F2B, s0  }
0xbd: {  	[sflag:s0] =	ssyncadd.remote.s32 $0x1  }
0xbe: {  	_ =	sfence.sel $0xFFFF  }
0xbf: {  	[dreg:$0x0] =	wrdreg $0xFFFFFFFF;
	(pc) =	sbr.abs _section_cstart, $3  }
0xc0: {  	[dreg:$0x1] =	wrdreg $0xFFFFFFFF  }
0xc1: {  	_ =	task.clear_ibuf [dreg:s7], $0x2FFFF;
	_ =	strace $0x9FFFFFFF  }
0xc2: {  	(tm) =	ssettm $0x7FFFFFFF  }
0xc3: {  	_ =	shalt  }
tec
execute0_lowered:
.L_overlay_start_1:
0x0: {  	(tag) =	ssettag $0x1  }
0x1: {  	v0 =	vlaneseq.u32  }
0x2: {  	v52 =	vmul.u32 $0x51, v0;
	_ =	sdelay $0x1  }
0x3: {  	v4 =	vadd.s32 $0x17, v52  }
0x4: {  	[tilespmem:$0x1FC80] =	vst v4;
	v4 =	vadd.s32 $0x18, v52  }
0x5: {  	[tilespmem:$0x1FC90] =	vst v4;
	v4 =	vadd.s32 $0x19, v52  }
0x6: {  	[tilespmem:$0x1FCA0] =	vst v4;
	v4 =	vadd.s32 $0x6, v52  }
0x7: {  	[tilespmem:$0x1FCB0] =	vst v4;
	v4 =	vadd.s32 $0x7, v52  }
0x8: {  	[tilespmem:$0x1FCC0] =	vst v4;
	v4 =	vadd.s32 $0x8, v52  }
0x9: {  	[tilespmem:$0x1FCD0] =	vst v4;
	v4 =	vadd.s32 $0x1, v52  }
0xa: {  	[tilespmem:$0x1FCE0] =	vst v4;
	v4 =	vadd.s32 $0x9, v52  }
0xb: {  	[tilespmem:$0x1FCF0] =	vst v4;
	v4 =	vadd.s32 $0xA, v52  }
0xc: {  	[tilespmem:$0x1FD00] =	vst v4;
	v4 =	vadd.s32 $0xB, v52  }
0xd: {  	[tilespmem:$0x1FD10] =	vst v4;
	v4 =	vadd.s32 $0x1A, v52  }
0xe: {  	[tilespmem:$0x1FD20] =	vst v4;
	v4 =	vadd.s32 $0x1B, v52  }
0xf: {  	[tilespmem:$0x1FD30] =	vst v4;
	v4 =	vadd.s32 $0x1C, v52  }
0x10: {  	[tilespmem:$0x1FD40] =	vst v4;
	v4 =	vadd.s32 $0x1D, v52  }
0x11: {  	[tilespmem:$0x1FD50] =	vst v4;
	v4 =	vadd.s32 $0x1E, v52  }
0x12: {  	[tilespmem:$0x1FD60] =	vst v4;
	v4 =	vadd.s32 $0xC, v52  }
0x13: {  	[tilespmem:$0x1FD70] =	vst v4;
	v4 =	vadd.s32 $0xD, v52  }
0x14: {  	[tilespmem:$0x1FD80] =	vst v4;
	v4 =	vadd.s32 $0xE, v52  }
0x15: {  	[tilespmem:$0x1FD90] =	vst v4;
	v4 =	vadd.s32 $0x1F, v52  }
0x16: {  	[tilespmem:$0x1FDA0] =	vst v4;
	v4 =	vadd.s32 $0x20, v52  }
0x17: {  	[tilespmem:$0x1FDB0] =	vst v4;
	v4 =	vadd.s32 $0x21, v52  }
0x18: {  	[tilespmem:$0x1FDC0] =	vst v4;
	v4 =	vadd.s32 $0x22, v52  }
0x19: {  	[tilespmem:$0x1FDD0] =	vst v4;
	v4 =	vadd.s32 $0x23, v52  }
0x1a: {  	[tilespmem:$0x1FDE0] =	vst v4;
	v4 =	vadd.s32 $0x33, v52  }
0x1b: {  	[tilespmem:$0x1FDF0] =	vst v4;
	v4 =	vadd.s32 $0x34, v52  }
0x1c: {  	[tilespmem:$0x1FE00] =	vst v4;
	v4 =	vadd.s32 $0x35, v52  }
0x1d: {  	[tilespmem:$0x1FE10] =	vst v4;
	v4 =	vadd.s32 $0x36, v52  }
0x1e: {  	[tilespmem:$0x1FE20] =	vst v4;
	v4 =	vadd.s32 $0x38, v52  }
0x1f: {  	[tilespmem:$0x1FE30] =	vst v4;
	v4 =	vadd.s32 $0x39, v52  }
0x20: {  	s5 =	rddreg [dreg:$0x0];
	[tilespmem:$0x1FE40] =	vst v4;
	v4 =	vadd.s32 $0x24, v52  }
0x21: {  	s1 =	rddreg [dreg:$0x1];
	s2 =	simm.s32 $0x0;
	[tilespmem:$0x1FE50] =	vst v4;
	v4 =	vadd.s32 $0x26, v52  }
0x22: {  	v1 =	vmul.u32 $0x9, v0;
	[smem:$0x7FF] =	sst s2;
	[tilespmem:$0x1FE60] =	vst v4;
	v4 =	vadd.s32 $0x27, v52  }
0x23: {  	s0 =	rddreg [dreg:$0x2];
	_ =	strace $0x80000047;
	[tilespmem:$0x1FE70] =	vst v4  }
0x24: {  	v0 =	vadd.s32 $0x1, v1;
	[tilespmem:$0x1FF60] =	vst v1  }
0x25: {  	v3 =	vadd.s32 $0x2, v1;
	[tilespmem:$0x1FF70] =	vst v0  }
0x26: {  	v2 =	vadd.s32 $0x3, v1;
	[tilespmem:$0x1FF80] =	vst v3  }
0x27: {  	v6 =	vadd.s32 $0x4, v1;
	[tilespmem:$0x1FF90] =	vst v2  }
0x28: {  	v12 =	vadd.s32 $0x5, v1;
	[tilespmem:$0x1FFA0] =	vst v6  }
0x29: {  	v7 =	vadd.s32 $0x6, v1;
	[tilespmem:$0x1FFB0] =	vst v12  }
0x2a: {  	v10 =	vadd.s32 $0x7, v1;
	[tilespmem:$0x1FFC0] =	vst v7  }
0x2b: {  	v11 =	vadd.s32 $0x8, v1;
	[tilespmem:$0x1FFD0] =	vst v10  }
0x2c: {  	v56 =	vadd.s32 $0x3, v52;
	[tilespmem:$0x1FFE0] =	vst v11  }
0x2d: {  	v4 =	vadd.s32 $0x28, v52;
	[tilespmem:$0x1FFF0] =	vst v56  }
0x2e: {  	[tilespmem:$0x1FE80] =	vst v4;
	v4 =	vadd.s32 $0xF, v52  }
0x2f: {  	[tilespmem:$0x1FE90] =	vst v4;
	v4 =	vadd.s32 $0x10, v52  }
0x30: {  	[tilespmem:$0x1FEA0] =	vst v4;
	v4 =	vadd.s32 $0x11, v52  }
0x31: {  	[tilespmem:$0x1FEB0] =	vst v4;
	v4 =	vadd.s32 $0x29, v52  }
0x32: {  	[tilespmem:$0x1FEC0] =	vst v4;
	v4 =	vadd.s32 $0x2A, v52  }
0x33: {  	[tilespmem:$0x1FED0] =	vst v4;
	v4 =	vadd.s32 $0x2B, v52  }
0x34: {  	[tilespmem:$0x1FEE0] =	vst v4;
	v4 =	vadd.s32 $0x2C, v52  }
0x35: {  	[tilespmem:$0x1FEF0] =	vst v4;
	v4 =	vadd.s32 $0x2D, v52  }
0x36: {  	s3 =	srdreg.scid;
	[tilespmem:$0x1FF00] =	vst v4;
	v4 =	vadd.s32 $0x3A, v52  }
0x37: {  	s10 =	simm.s32 $0x3900;
	s11 =	simm.s32 $0x0;
	s6 =	sand.u32 $0x1, s3;
	[tilespmem:$0x1FF10] =	vst v4;
	v4 =	vadd.s32 $0x3B, v52  }
0x38: {  	s3 =	stileid.u32;
	s4 =	sadd.s32 $0x9C4800, s5;
	s7 =	ssub.s32 $0x2, s6;
	[tilespmem:$0x1FF20] =	vst v4;
	v4 =	vadd.s32 $0x3C, v52  }
0x39: {  	s5 =	sadd.s32 $0xA74600, s5;
	s9 =	sshll.u32 s3, $0x1;
	v57 =	vadd.s32 $0x4, v52;
	s8 =	sshrl.u32 s7, $0x1;
	[tilespmem:$0x1FF30] =	vst v4;
	v4 =	vadd.s32 $0x3D, v52  }
0x3a: {  	v58 =	vadd.s32 $0x5, v52;
	v60 =	vadd.s32 $0x15, v52;
	s6 =	sor.u32 s6, s9;
	s9 =	simm.s32 $0x1C80;
	s7 =	ssub.s32 s7, s8;
	[tilespmem:$0x1FF40] =	vst v4;
	v4 =	vadd.s32 $0x3E, v52  }
0x3b: {  	v61 =	vadd.s32 $0x16, v52;
	v62 =	vadd.s32 $0x37, v52;
	v59 =	vadd.s32 $0x25, v52;
	s6 =	smul.u32 $0x4E20, s6;
	s8 =	simm.s32 $0x1;
	s7 =	smax.u32 s7, $0x1;
	[tilespmem:$0x1FF50] =	vst v4  }
.LBB2_1:
0x3c: {  	s12 =	simm.s32 $0x0  }
.LBB2_2:
0x3d: {  	s13 =	smul.u32 $0x320, s12;
	_ =	sdelay $0x1  }
0x3e: {  	s13 =	sadd.s32 s6, s13  }
0x3f: {  	s14 =	sshrl.u32 s13, $0x3  }
0x40: {  	s15 =	sadd.s32 s13, s14  }
0x41: {  	s14 =	simm.s32 $0x0;
	s16 =	sadd.s32 s4, s15  }
0x42: {  	[tilespmem:s14], [sflag:$0x1] =	stream.linear.gather [hbm4b:s16+s14], $0x1C20, $0x38;
	[tilespmem:$0x13680] =	vst v63  }
0x43: {  	_ =	swait.ge [sflag:s8], $0x1C20  }
0x44: {  	[sflag:s8] =	ssyncset.done $0x0  }
0x45: {  	s15 =	sadd.s32 s5, s15;
	[sflag:s8] =	ssyncadd.s32 $0xFFFFE3E0  }
0x46: {  	[tilespmem:s9], [sflag:$0x1] =	stream.linear.gather [hbm4b:s15+s14], $0x1C20, $0x38;
	[tilespmem:$0x13680] =	vst v63  }
0x47: {  	_ =	swait.ge [sflag:s8], $0x1C20  }
0x48: {  	[sflag:s8] =	ssyncset.done $0x0  }
0x49: {  	s15 =	simm.s32 $0x0;
	[sflag:s8] =	ssyncadd.s32 $0xFFFFE3E0  }
.LBB2_3:
0x4a: {  	v0 =	vld [tilespmem:$0x1FF70]  }
0x4b: {  	v2 =	vld [tilespmem:$0x1FF90]  }
0x4c: {  	v4 =	vadd.s32 s15, v3;
	_ =	sdelay $0x1  }
0x4d: {  	v19 =	vadd.s32 s15, v6  }
0x4e: {  	v0 =	vadd.s32 s15, v0  }
0x4f: {  	v2 =	vadd.s32 s15, v2  }
0x50: {  	v23 =	vld.idx.msk [tilespmem:v4+s2+$0x0], $0xffff  }
0x51: {  	v28 =	vld.idx.msk [tilespmem:v4+s9+$0x0], $0xffff  }
0x52: {  	v63 =	vld.idx.msk [tilespmem:v19+s9+$0x0], $0xffff  }
0x53: {  	v8 =	vld.idx.msk [tilespmem:v0+s2+$0x0], $0xffff  }
0x54: {  	v9 =	vld.idx.msk [tilespmem:v2+s2+$0x0], $0xffff  }
0x55: {  	v3 =	vld.idx.msk [tilespmem:v0+s9+$0x0], $0xffff  }
0x56: {  	v5 =	vld.idx.msk [tilespmem:v2+s9+$0x0], $0xffff;
	_ =	sdelay $0x3  }
0x57: {  	v0 =	vadd.s32 s15, v7;
	v13 =	vmul.f32 v28, v23;
	v40 =	vmul.f32 v63, v23  }
0x58: {  	v7 =	vadd.s32 s15, v10;
	v2 =	vmul.f32 v3, v9;
	v14 =	vmul.f32 v5, v8  }
0x59: {  	v15 =	vadd.s32 s15, v12;
	v4 =	vmul.f32 v28, v9;
	v12 =	vmul.f32 v5, v23  }
0x5a: {  	v22 =	vmul.f32 v3, v23;
	v24 =	vmul.f32 v28, v8  }
0x5b: {  	v10 =	vadd.s32 s15, v11;
	v16 =	vmul.f32 $5.773502590e-01, v13;
	v13 =	vmul.f32 $8.164966110e-01, v13  }
0x5c: {  	v17 =	vld.idx.msk [tilespmem:v0+s9+$0x0], $0xffff;
	v11 =	vmul.f32 $5.773502590e-01, v2;
	v18 =	vmul.f32 $5.773502590e-01, v14  }
0x5d: {  	v6 =	vld.idx.msk [tilespmem:v7+s9+$0x0], $0xffff;
	v20 =	vmul.f32 $-7.071067690e-01, v4;
	v21 =	vmul.f32 $7.071067690e-01, v12  }
0x5e: {  	v25 =	vmul.f32 $7.071067690e-01, v2;
	v26 =	vmul.f32 $7.071067690e-01, v14  }
0x5f: {  	v22 =	vmul.f32 $-7.071067690e-01, v22;
	v24 =	vmul.f32 $7.071067690e-01, v24  }
0x60: {  	v4 =	vld.idx.msk [tilespmem:v10+s9+$0x0], $0xffff;
	v2 =	vmul.f32 $4.082483050e-01, v2;
	v14 =	vmul.f32 $4.082483050e-01, v14;
	v11 =	vsub.f32 v11, v16  }
0x61: {  	v12 =	vld.idx.msk [tilespmem:v15+s9+$0x0], $0xffff;
	v49 =	vsub.f32 v25, v26;
	v26 =	vmul.f32 v63, v9;
	v27 =	vmul.f32 v17, v9  }
0x62: {  	v39 =	vadd.f32 v21, v20;
	v29 =	vmul.f32 v6, v23;
	v32 =	vmul.f32 v17, v23  }
0x63: {  	v20 =	vsub.f32 v20, v21;
	v33 =	vmul.f32 v6, v8;
	v21 =	vmul.f32 v17, v8  }
0x64: {  	v2 =	vadd.f32 v13, v2;
	v37 =	vmul.f32 v6, v9;
	v13 =	vmul.f32 $7.745966910e-01, v26  }
0x65: {  	v10 =	vld.idx.msk [tilespmem:v10+s2+$0x0], $0xffff;
	v16 =	vmul.f32 v4, v8;
	v30 =	vmul.f32 $3.162277640e-01, v27  }
0x66: {  	v55 =	vadd.f32 v18, v11;
	v31 =	vmul.f32 $5.477225780e-01, v29;
	v18 =	vmul.f32 v12, v9  }
0x67: {  	v34 =	vmul.f32 $6.324555270e-01, v32;
	v35 =	vmul.f32 $5.477225780e-01, v33  }
0x68: {  	v2 =	vadd.f32 v14, v2;
	v36 =	vmul.f32 v12, v23;
	v14 =	vmul.f32 v4, v23  }
0x69: {  	v47 =	vadd.f32 v24, v22;
	v53 =	vmul.f32 $3.162277640e-01, v21;
	v54 =	vmul.f32 $7.071067690e-01, v27  }
0x6a: {  	v22 =	vsub.f32 v22, v24;
	v45 =	vmul.f32 $4.472135900e-01, v33;
	v24 =	vmul.f32 v3, v10  }
0x6b: {  	v11 =	vmul.f32 $7.745966910e-01, v16;
	v50 =	vmul.f32 $5.477225780e-01, v18  }
0x6c: {  	[tilespmem:$0x1FAF0] =	vst v2;
	v2 =	vmul.f32 $5.477225780e-01, v36;
	v51 =	vsub.f32 v30, v31;
	v31 =	vmul.f32 $5.773502590e-01, v37  }
0x6d: {  	[tilespmem:$0x1FB00] =	vst v22;
	v22 =	vmul.f32 $8.164966110e-01, v14;
	v38 =	vmul.f32 $5.773502590e-01, v16  }
0x6e: {  	v48 =	vmul.f32 $7.071067690e-01, v18;
	v37 =	vmul.f32 $-8.164966110e-01, v37  }
0x6f: {  	v14 =	vmul.f32 $5.773502590e-01, v14;
	v16 =	vmul.f32 $2.581988870e-01, v16  }
0x70: {  	v11 =	vadd.f32 v11, v51;
	v46 =	vsub.f32 v34, v50;
	v50 =	vmul.f32 $7.071067690e-01, v33  }
0x71: {  	v2 =	vsub.f32 v13, v2;
	v13 =	vmul.f32 $5.773502590e-01, v26;
	v51 =	vmul.f32 $4.082483050e-01, v36  }
0x72: {  	v26 =	vmul.f32 $2.581988870e-01, v26;
	[tilespmem:$0x1FB10] =	vst v11;
	v11 =	vmul.f32 $4.082483050e-01, v29;
	v41 =	vsub.f32 v46, v35  }
0x73: {  	v46 =	vmul.f32 v12, v8;
	v2 =	vadd.f32 v53, v2;
	v53 =	vmul.f32 $8.164966110e-01, v40  }
0x74: {  	[tilespmem:$0x1FAE0] =	vst v20;
	v20 =	vld.idx.msk [tilespmem:v0+s2+$0x0], $0xffff;
	v42 =	vsub.f32 v50, v48;
	v48 =	vmul.f32 $7.302967310e-01, v36;
	v0 =	vsub.f32 v54, v11  }
0x75: {  	v50 =	vmul.f32 $7.745966910e-01, v24;
	[tilespmem:$0x1FB20] =	vst v2;
	v2 =	vmul.f32 $7.071067690e-01, v21;
	v11 =	vsub.f32 v22, v31  }
0x76: {  	v54 =	vmul.f32 $5.773502590e-01, v46;
	v31 =	vmul.f32 $6.324555270e-01, v27;
	v0 =	vsub.f32 v0, v38  }
0x77: {  	v21 =	vmul.f32 $6.324555270e-01, v21;
	[tilespmem:$0x1FB30] =	vst v11;
	v11 =	vld.idx.msk [tilespmem:v7+s2+$0x0], $0xffff;
	v7 =	vadd.f32 v51, v13;
	v13 =	vmul.f32 $-4.472135900e-01, v18  }
0x78: {  	v26 =	vadd.f32 v48, v26;
	v38 =	vmul.f32 $7.745966910e-01, v32;
	[tilespmem:$0x1FB40] =	vst v0;
	v0 =	vmul.f32 $7.302967310e-01, v29  }
0x79: {  	v32 =	vmul.f32 v3, v20;
	v2 =	vsub.f32 v7, v2;
	v7 =	vld.idx.msk [tilespmem:v15+s2+$0x0], $0xffff;
	v15 =	vmul.f32 $-5.773502590e-01, v40  }
0x7a: {  	v29 =	vmul.f32 v5, v20;
	v13 =	vsub.f32 v13, v38;
	v0 =	vadd.f32 v0, v31  }
0x7b: {  	v44 =	vmul.f32 $3.162277640e-01, v32;
	v38 =	vmul.f32 v6, v20;
	[tilespmem:$0x1FB50] =	vst v2;
	v2 =	vsub.f32 v37, v14  }
0x7c: {  	v14 =	vmul.f32 $8.164966110e-01, v46;
	v22 =	vmul.f32 v28, v11;
	v0 =	vadd.f32 v16, v0  }
0x7d: {  	v43 =	vsub.f32 v54, v53;
	v51 =	vmul.f32 $3.162277640e-01, v29;
	v18 =	vmul.f32 v3, v11;
	[tilespmem:$0x1FB60] =	vst v2  }
0x7e: {  	v40 =	vadd.f32 v21, v26;
	v21 =	vmul.f32 v63, v11;
	[tilespmem:$0x1FB70] =	vst v0;
	v0 =	vmul.f32 $5.477225780e-01, v22  }
0x7f: {  	v2 =	vld.idx.msk [tilespmem:v19+s2+$0x0], $0xffff;
	v19 =	vmul.f32 v28, v20;
	v34 =	vsub.f32 v15, v14;
	v14 =	vmul.f32 v28, v10  }
0x80: {  	v15 =	vmul.f32 v5, v11;
	v27 =	vmul.f32 v5, v7;
	v0 =	vsub.f32 v50, v0  }
0x81: {  	v35 =	vsub.f32 v13, v45;
	v13 =	vmul.f32 $5.477225780e-01, v18;
	v30 =	vmul.f32 v28, v7  }
0x82: {  	v37 =	vmul.f32 v3, v7;
	v53 =	vmul.f32 $6.324555270e-01, v19;
	v0 =	vadd.f32 v51, v0  }
0x83: {  	v46 =	vmul.f32 $8.164966110e-01, v14;
	v54 =	vmul.f32 $5.477225780e-01, v27  }
0x84: {  	v13 =	vsub.f32 v53, v13;
	v36 =	vmul.f32 v5, v2;
	[tilespmem:$0x1FB80] =	vst v0;
	v0 =	vmul.f32 $5.477225780e-01, v30  }
0x85: {  	v50 =	vmul.f32 $5.773502590e-01, v24;
	v51 =	vmul.f32 $4.082483050e-01, v22  }
0x86: {  	v13 =	vsub.f32 v13, v54;
	v45 =	vmul.f32 $7.745966910e-01, v36;
	v0 =	vsub.f32 v44, v0  }
0x87: {  	v48 =	vmul.f32 $5.773502590e-01, v15;
	v14 =	vmul.f32 $-5.773502590e-01, v14  }
0x88: {  	[tilespmem:$0x1FB90] =	vst v13;
	v13 =	vmul.f32 $7.071067690e-01, v29;
	v26 =	vadd.f32 v51, v50;
	v0 =	vadd.f32 v45, v0  }
0x89: {  	v15 =	vmul.f32 $8.164966110e-01, v15;
	v53 =	vmul.f32 $7.071067690e-01, v18;
	v25 =	vsub.f32 v48, v46  }
0x8a: {  	v33 =	vmul.f32 v28, v2;
	v13 =	vsub.f32 v26, v13;
	[tilespmem:$0x1FBA0] =	vst v0;
	v0 =	vmul.f32 $7.071067690e-01, v27  }
0x8b: {  	v48 =	vmul.f32 $7.302967310e-01, v22;
	v14 =	vsub.f32 v14, v15;
	v15 =	vmul.f32 $7.302967310e-01, v30  }
0x8c: {  	v46 =	vmul.f32 $8.164966110e-01, v33;
	[tilespmem:$0x1FBC0] =	vst v13;
	v13 =	vmul.f32 $5.773502590e-01, v37;
	v0 =	vsub.f32 v0, v53  }
0x8d: {  	v54 =	vmul.f32 $7.071067690e-01, v32;
	[tilespmem:$0x1FC00] =	vst v14;
	v14 =	vmul.f32 $6.324555270e-01, v32  }
0x8e: {  	v22 =	vmul.f32 v12, v20;
	v13 =	vsub.f32 v46, v13;
	[tilespmem:$0x1FBD0] =	vst v0;
	v0 =	vmul.f32 $2.581988870e-01, v24  }
0x8f: {  	v50 =	vmul.f32 $6.324555270e-01, v29;
	v51 =	vmul.f32 $-4.472135900e-01, v18  }
0x90: {  	v18 =	vmul.f32 v63, v10;
	[tilespmem:$0x1FBF0] =	vst v13;
	v13 =	vmul.f32 $7.745966910e-01, v19;
	v0 =	vadd.f32 v48, v0  }
0x91: {  	v29 =	vmul.f32 $-8.164966110e-01, v37;
	v53 =	vmul.f32 $4.472135900e-01, v27  }
0x92: {  	v19 =	vmul.f32 v12, v11;
	v13 =	vsub.f32 v51, v13;
	v0 =	vadd.f32 v50, v0  }
0x93: {  	v44 =	vmul.f32 $4.082483050e-01, v30;
	v37 =	vmul.f32 v17, v20  }
0x94: {  	v30 =	vmul.f32 $4.472135900e-01, v19;
	v13 =	vsub.f32 v13, v53;
	[tilespmem:$0x1FC10] =	vst v0;
	v0 =	vmul.f32 $4.472135900e-01, v18  }
0x95: {  	v31 =	vmul.f32 $5.773502590e-01, v33;
	v15 =	vadd.f32 v15, v14;
	v14 =	vmul.f32 v4, v2  }
0x96: {  	v32 =	vmul.f32 $4.472135900e-01, v37;
	[tilespmem:$0x1FC20] =	vst v13;
	v13 =	vmul.f32 v6, v7;
	v0 =	vsub.f32 v0, v30  }
0x97: {  	v26 =	vmul.f32 v4, v7;
	v45 =	vmul.f32 $5.773502590e-01, v36;
	v16 =	vsub.f32 v54, v44  }
0x98: {  	v54 =	vmul.f32 $2.581988870e-01, v36;
	v33 =	vmul.f32 $4.472135900e-01, v13;
	v0 =	vadd.f32 v32, v0  }
0x99: {  	v46 =	vmul.f32 v12, v10;
	v48 =	vmul.f32 v17, v11  }
0x9a: {  	v36 =	vadd.f32 v54, v15;
	v15 =	vmul.f32 $4.472135900e-01, v14;
	v0 =	vsub.f32 v0, v33  }
0x9b: {  	[tilespmem:$0x1FBB0] =	vst v25;
	v25 =	vadd.s32 s15, v1;
	v50 =	vmul.f32 $4.472135900e-01, v46;
	v51 =	vmul.f32 $5.477225780e-01, v48  }
0x9c: {  	v1 =	vmul.f32 $6.324555270e-01, v14;
	v16 =	vsub.f32 v16, v45;
	v0 =	vadd.f32 v15, v0  }
0x9d: {  	v45 =	vsub.f32 v29, v31;
	v53 =	vmul.f32 $5.477225780e-01, v38;
	v31 =	vsub.f32 v51, v50  }
0x9e: {  	v27 =	vmul.f32 $6.324555270e-01, v18;
	[tilespmem:$0x1FC40] =	vst v0;
	v0 =	vmul.f32 $3.162277640e-01, v19  }
0x9f: {  	v44 =	vmul.f32 $5.477225780e-01, v22;
	v33 =	vsub.f32 v31, v53;
	v53 =	vmul.f32 $4.472135900e-01, v21  }
0xa0: {  	v15 =	vmul.f32 $3.162277640e-01, v13;
	v0 =	vsub.f32 v27, v0;
	v27 =	vmul.f32 v17, v7  }
0xa1: {  	v54 =	vmul.f32 $4.472135900e-01, v26;
	v32 =	vmovc v62;
	v62 =	vsub.f32 v44, v53;
	v44 =	vmul.f32 v17, v10  }
0xa2: {  	[tilespmem:$0x1FC30] =	vst v45;
	v45 =	vld.idx.msk [tilespmem:v25+s2+$0x0], $0xffff;
	v24 =	vmul.f32 v6, v2;
	v15 =	vadd.f32 v15, v0;
	v50 =	vmul.f32 $5.477225780e-01, v27  }
0xa3: {  	v31 =	vmul.f32 v6, v11;
	v54 =	vadd.f32 v54, v33;
	v0 =	vld.idx.msk [tilespmem:v25+s9+$0x0], $0xffff;
	v25 =	vmul.f32 $5.345224740e-01, v44  }
0xa4: {  	[tilespmem:$0x1FBE0] =	vst v16;
	v1 =	vsub.f32 v15, v1;
	v15 =	vmul.f32 $4.472135900e-01, v24;
	v16 =	vsub.f32 v62, v50  }
0xa5: {  	v51 =	vadd.s32 s14, v52;
	v30 =	vmul.f32 $6.546536680e-01, v31;
	[tilespmem:$0x1FC50] =	vst v54  }
0xa6: {  	v53 =	vmul.f32 $6.546536680e-01, v46;
	v54 =	vmul.f32 $2.672612370e-01, v48;
	[tilespmem:$0x1FC60] =	vst v1;
	v1 =	vadd.f32 v15, v16  }
0xa7: {  	v50 =	vadd.s32 s14, v56;
	v15 =	vsub.f32 v25, v30;
	v25 =	vmov v59;
	v59 =	vld [tilespmem:$0x1FC80]  }
0xa8: {  	v33 =	vmul.f32 $2.672612370e-01, v19;
	v53 =	vsub.f32 v54, v53;
	v62 =	vadd.s32 s14, v57  }
0xa9: {  	v56 =	vadd.s32 s14, v58;
	v30 =	vmovc v57;
	v57 =	vmul.f32 $5.345224740e-01, v18;
	v54 =	vmul.f32 v0, v45  }
0xaa: {  	v28 =	vxor.u32 $0x80000000, v28;
	v16 =	vmul.f32 v5, v45;
	[tilespmem:$0x1FC70] =	vst v1;
	v1 =	vmovc v60;
	v60 =	vadd.s32 s14, v60  }
0xab: {  	v28 =	vmul.f32 v28, v45;
	[tilespmem:v51+s10+$0x0] =	vst.idx.msk $0xffff, v54;
	v51 =	vadd.f32 v33, v57;
	v54 =	vadd.s32 s14, v61  }
0xac: {  	v29 =	vmovc v58;
	v33 =	vxor.u32 $0x80000000, v6;
	[tilespmem:v50+s10+$0x0] =	vst.idx.msk $0xffff, v16;
	v50 =	vmul.f32 v3, v45;
	v58 =	vadd.s32 s14, v59  }
0xad: {  	[tilespmem:v62+s10+$0x0] =	vst.idx.msk $0xffff, v28;
	v28 =	vmul.f32 v33, v45;
	v33 =	vmul.f32 v4, v45;
	v59 =	vld [tilespmem:$0x1FC90]  }
0xae: {  	v62 =	vld [tilespmem:$0x1FCA0];
	[tilespmem:v56+s10+$0x0] =	vst.idx.msk $0xffff, v50  }
0xaf: {  	v16 =	vmov v61;
	v61 =	vmul.f32 $5.345224740e-01, v37;
	v50 =	vmul.f32 v17, v45;
	[tilespmem:v60+s10+$0x0] =	vst.idx.msk $0xffff, v33;
	v60 =	vld [tilespmem:$0x1FCB0]  }
0xb0: {  	[tilespmem:v54+s10+$0x0] =	vst.idx.msk $0xffff, v28  }
0xb1: {  	[tilespmem:v58+s10+$0x0] =	vst.idx.msk $0xffff, v50;
	v50 =	vsub.f32 v51, v61;
	v61 =	vld [tilespmem:$0x1FCD0]  }
0xb2: {  	v59 =	vadd.s32 s14, v59  }
0xb3: {  	v56 =	vadd.s32 s14, v62  }
0xb4: {  	v57 =	vld [tilespmem:$0x1FCC0];
	v33 =	vxor.u32 $0x80000000, v12;
	v60 =	vadd.s32 s14, v60  }
0xb5: {  	v62 =	vmul.f32 $2.672612370e-01, v38;
	v33 =	vmul.f32 v33, v45  }
0xb6: {  	v45 =	vmul.f32 v63, v45;
	v51 =	vadd.s32 s14, v61;
	v61 =	vld [tilespmem:$0x1FCF0]  }
0xb7: {  	v53 =	vadd.f32 v62, v53;
	v62 =	vmul.f32 v0, v9;
	[tilespmem:v59+s10+$0x0] =	vst.idx.msk $0xffff, v33  }
0xb8: {  	v33 =	vld [tilespmem:$0x1FCE0];
	[tilespmem:v56+s10+$0x0] =	vst.idx.msk $0xffff, v45  }
0xb9: {  	v54 =	vadd.s32 s14, v57;
	[tilespmem:v60+s10+$0x0] =	vst.idx.msk $0xffff, v62;
	v62 =	vld [tilespmem:$0x1FD00];
	_ =	sdelay $0x1  }
0xba: {  	v57 =	vxor.u32 $0x80000000, v0;
	v56 =	vadd.s32 s14, v61;
	v61 =	vld [tilespmem:$0x1FD10]  }
0xbb: {  	v45 =	vmul.f32 v57, v23;
	v23 =	vmul.f32 v4, v20  }
0xbc: {  	v58 =	vadd.s32 s14, v33  }
0xbd: {  	v28 =	vmul.f32 v0, v8;
	[tilespmem:v54+s10+$0x0] =	vst.idx.msk $0xffff, v45;
	v54 =	vmul.f32 $5.345224740e-01, v23;
	v59 =	vadd.s32 s14, v62;
	v62 =	vld [tilespmem:$0x1FD20];
	_ =	sdelay $0x1  }
0xbe: {  	[tilespmem:v51+s10+$0x0] =	vst.idx.msk $0xffff, v28;
	v28 =	vadd.f32 v54, v15;
	v15 =	vld [tilespmem:$0x1FD30];
	v45 =	vadd.s32 s14, v61;
	v61 =	vmul.f32 $6.546536680e-01, v26;
	_ =	sdelay $0x1  }
0xbf: {  	v33 =	vmul.f32 $2.672612370e-01, v13;
	[tilespmem:v58+s10+$0x0] =	vst.idx.msk $0xffff, v55;
	v55 =	vsub.f32 v53, v61;
	v61 =	vld [tilespmem:$0x1FD50]  }
0xc0: {  	v60 =	vld [tilespmem:$0x1FD40];
	v51 =	vadd.s32 s14, v62  }
0xc1: {  	v50 =	vadd.f32 v33, v50;
	v33 =	vmul.f32 $5.345224740e-01, v14  }
0xc2: {  	[tilespmem:v56+s10+$0x0] =	vst.idx.msk $0xffff, v39;
	v39 =	vmul.f32 v5, v9;
	v53 =	vadd.s32 s14, v15  }
0xc3: {  	v15 =	vadd.f32 v33, v50;
	v33 =	vmul.f32 $2.672612370e-01, v22;
	[tilespmem:v59+s10+$0x0] =	vst.idx.msk $0xffff, v49;
	v62 =	vmul.f32 $6.546536680e-01, v21  }
0xc4: {  	[tilespmem:v45+s10+$0x0] =	vst.idx.msk $0xffff, v47;
	v54 =	vadd.s32 s14, v61;
	v61 =	vld [tilespmem:$0x1FAE0]  }
0xc5: {  	v50 =	vadd.s32 s14, v60;
	[tilespmem:v51+s10+$0x0] =	vst.idx.msk $0xffff, v39;
	v39 =	vsub.f32 v33, v62;
	v33 =	vld [tilespmem:$0x1FAF0];
	_ =	sdelay $0x1  }
0xc6: {  	v60 =	vld [tilespmem:$0x1FD70]  }
0xc7: {  	v62 =	vld [tilespmem:$0x1FD80]  }
0xc8: {  	v59 =	vld [tilespmem:$0x1FD60];
	[tilespmem:v53+s10+$0x0] =	vst.idx.msk $0xffff, v61  }
0xc9: {  	[tilespmem:v50+s10+$0x0] =	vst.idx.msk $0xffff, v33;
	v33 =	vld [tilespmem:$0x1FD90];
	_ =	sdelay $0x1  }
0xca: {  	v61 =	vld [tilespmem:$0x1FDA0]  }
0xcb: {  	v53 =	vadd.s32 s14, v62;
	v62 =	vld [tilespmem:$0x1FB00]  }
0xcc: {  	v17 =	vmul.f32 v17, v2;
	v49 =	vmul.f32 v63, v20;
	v45 =	vadd.s32 s14, v59  }
0xcd: {  	v47 =	vmul.f32 v12, v7;
	v51 =	vadd.s32 s14, v60;
	v60 =	vadd.s32 s14, v33;
	v33 =	vld [tilespmem:$0x1FB10]  }
0xce: {  	v56 =	vmul.f32 $2.672612370e-01, v27;
	v58 =	vmul.f32 $5.345224740e-01, v49  }
0xcf: {  	v59 =	vmul.f32 $6.546536680e-01, v47;
	v50 =	vmul.f32 v3, v8  }
0xd0: {  	v39 =	vadd.f32 v56, v39;
	v56 =	vadd.s32 s14, v61;
	v61 =	vld [tilespmem:$0x1FDC0];
	[tilespmem:v54+s10+$0x0] =	vst.idx.msk $0xffff, v62  }
0xd1: {  	v54 =	vsub.f32 v58, v59;
	v62 =	vld [tilespmem:$0x1FDB0];
	v58 =	vmul.f32 $5.345224740e-01, v17;
	[tilespmem:v45+s10+$0x0] =	vst.idx.msk $0xffff, v50;
	v50 =	vmul.f32 $6.546536680e-01, v24  }
0xd2: {  	[tilespmem:v51+s10+$0x0] =	vst.idx.msk $0xffff, v33;
	v33 =	vld [tilespmem:$0x1FB20]  }
0xd3: {  	v50 =	vsub.f32 v39, v50;
	v39 =	vadd.f32 v58, v54;
	v58 =	vld [tilespmem:$0x1FB30];
	_ =	sdelay $0x1  }
0xd4: {  	v59 =	vmul.f32 $-5.477225780e-01, v46  }
0xd5: {  	v45 =	vadd.s32 s14, v62;
	v51 =	vadd.s32 s14, v61;
	v61 =	vmul.f32 $4.472135900e-01, v48;
	v62 =	vld [tilespmem:$0x1FDD0];
	[tilespmem:v53+s10+$0x0] =	vst.idx.msk $0xffff, v41  }
0xd6: {  	[tilespmem:v60+s10+$0x0] =	vst.idx.msk $0xffff, v33;
	v33 =	vld [tilespmem:$0x1FDE0]  }
0xd7: {  	[tilespmem:v56+s10+$0x0] =	vst.idx.msk $0xffff, v58;
	v56 =	vsub.f32 v59, v61;
	v61 =	vld [tilespmem:$0x1FB40];
	_ =	sdelay $0x3  }
0xd8: {  	v41 =	vmul.f32 $6.324555270e-01, v19;
	v60 =	vld [tilespmem:$0x1FDF0]  }
0xd9: {  	v53 =	vadd.s32 s14, v62;
	v62 =	vmul.f32 $3.162277640e-01, v18;
	v54 =	vadd.s32 s14, v33;
	v33 =	vld [tilespmem:$0x1FE10];
	[tilespmem:v45+s10+$0x0] =	vst.idx.msk $0xffff, v61  }
0xda: {  	[tilespmem:v51+s10+$0x0] =	vst.idx.msk $0xffff, v42;
	v42 =	vld [tilespmem:$0x1FB50]  }
0xdb: {  	v41 =	vadd.f32 v41, v62;
	v62 =	vld [tilespmem:$0x1FE00];
	_ =	sdelay $0x1  }
0xdc: {  	v59 =	vmul.f32 $7.071067690e-01, v44;
	v58 =	vadd.s32 s14, v60;
	v60 =	vmul.f32 $7.071067690e-01, v23  }
0xdd: {  	v51 =	vadd.s32 s14, v33;
	v33 =	vld [tilespmem:$0x1FE20]  }
0xde: {  	[tilespmem:v53+s10+$0x0] =	vst.idx.msk $0xffff, v42;
	v42 =	vsub.f32 v59, v60;
	v59 =	vld [tilespmem:$0x1FB60]  }
0xdf: {  	v45 =	vadd.s32 s14, v62;
	v60 =	vld [tilespmem:$0x1FE40];
	_ =	sdelay $0x1  }
0xe0: {  	v9 =	vmul.f32 v4, v9  }
0xe1: {  	[tilespmem:v54+s10+$0x0] =	vst.idx.msk $0xffff, v43  }
0xe2: {  	[tilespmem:v58+s10+$0x0] =	vst.idx.msk $0xffff, v9;
	v53 =	vadd.s32 s14, v33;
	v33 =	vld [tilespmem:$0x1FB70]  }
0xe3: {  	[tilespmem:v45+s10+$0x0] =	vst.idx.msk $0xffff, v59;
	v45 =	vadd.s32 s14, v60;
	v60 =	vmov v1;
	v1 =	vld [tilespmem:$0x1FE60];
	_ =	sdelay $0x3  }
0xe4: {  	v9 =	vld [tilespmem:$0x1FE30];
	[tilespmem:v51+s10+$0x0] =	vst.idx.msk $0xffff, v33  }
0xe5: {  	v54 =	vadd.s32 s14, v32;
	[tilespmem:v53+s10+$0x0] =	vst.idx.msk $0xffff, v35;
	v53 =	vadd.s32 s14, v1;
	v1 =	vld [tilespmem:$0x1FE70];
	_ =	sdelay $0x1  }
0xe6: {  	v61 =	vmul.f32 $4.472135900e-01, v38;
	_ =	sdelay $0x1  }
0xe7: {  	v43 =	vadd.f32 v61, v56;
	v56 =	vadd.s32 s14, v9  }
0xe8: {  	v62 =	vmul.f32 $6.324555270e-01, v13;
	[tilespmem:v54+s10+$0x0] =	vst.idx.msk $0xffff, v40;
	v54 =	vadd.s32 s14, v1;
	v1 =	vld [tilespmem:$0x1FE80];
	_ =	sdelay $0x1  }
0xe9: {  	v41 =	vsub.f32 v41, v62;
	v58 =	vmul.f32 $3.162277640e-01, v14;
	v9 =	vmul.f32 $5.477225780e-01, v26  }
0xea: {  	v8 =	vmul.f32 v63, v8  }
0xeb: {  	v43 =	vadd.f32 v9, v43;
	v9 =	vsub.f32 v41, v58;
	v58 =	vld [tilespmem:$0x1FE50];
	[tilespmem:v56+s10+$0x0] =	vst.idx.msk $0xffff, v34  }
0xec: {  	[tilespmem:v45+s10+$0x0] =	vst.idx.msk $0xffff, v8;
	v45 =	vadd.s32 s14, v1;
	v1 =	vld [tilespmem:$0x1FE90];
	_ =	sdelay $0x4  }
0xed: {  	v41 =	vadd.s32 s14, v58;
	v40 =	vadd.s32 s14, v1;
	v1 =	vld [tilespmem:$0x1FEA0];
	_ =	sdelay $0x2  }
0xee: {  	v61 =	vmov v16;
	v16 =	vmul.f32 v0, v10  }
0xef: {  	v59 =	vmul.f32 $-5.477225780e-01, v21  }
0xf0: {  	v51 =	vadd.s32 s14, v25;
	[tilespmem:v41+s10+$0x0] =	vst.idx.msk $0xffff, v16;
	v16 =	vadd.s32 s14, v1;
	v1 =	vld [tilespmem:$0x1FEB0]  }
0xf1: {  	v62 =	vmov v32;
	v32 =	vmul.f32 $4.472135900e-01, v22;
	_ =	sdelay $0x1  }
0xf2: {  	v35 =	vsub.f32 v59, v32;
	v59 =	vmov v25;
	v25 =	vmul.f32 v57, v11;
	_ =	sdelay $0x1  }
0xf3: {  	[tilespmem:v51+s10+$0x0] =	vst.idx.msk $0xffff, v25;
	v25 =	vadd.s32 s14, v1;
	v1 =	vld [tilespmem:$0x1FEC0];
	_ =	sdelay $0x4  }
0xf4: {  	v56 =	vadd.s32 s14, v1;
	v1 =	vld [tilespmem:$0x1FED0]  }
0xf5: {  	v33 =	vmul.f32 $4.472135900e-01, v27;
	_ =	sdelay $0x1  }
0xf6: {  	v20 =	vmul.f32 v0, v20;
	v35 =	vadd.f32 v33, v35;
	v41 =	vmul.f32 $5.477225780e-01, v24;
	_ =	sdelay $0x1  }
0xf7: {  	[tilespmem:v53+s10+$0x0] =	vst.idx.msk $0xffff, v20;
	v20 =	vadd.f32 v41, v35;
	v35 =	vadd.s32 s14, v1;
	v1 =	vld [tilespmem:$0x1FEE0];
	_ =	sdelay $0x4  }
0xf8: {  	v41 =	vadd.s32 s14, v1;
	v1 =	vld [tilespmem:$0x1FEF0];
	_ =	sdelay $0x2  }
0xf9: {  	v8 =	vmul.f32 v57, v7;
	_ =	sdelay $0x1  }
0xfa: {  	[tilespmem:v54+s10+$0x0] =	vst.idx.msk $0xffff, v8;
	v8 =	vadd.s32 s14, v1;
	v1 =	vld [tilespmem:$0x1FF00];
	_ =	sdelay $0x2  }
0xfb: {  	v0 =	vmul.f32 v0, v2;
	_ =	sdelay $0x1  }
0xfc: {  	[tilespmem:v45+s10+$0x0] =	vst.idx.msk $0xffff, v0;
	v0 =	vmul.f32 v5, v10;
	v5 =	vadd.s32 s14, v1;
	v1 =	vld [tilespmem:$0x1FF10];
	_ =	sdelay $0x4  }
0xfd: {  	v45 =	vadd.s32 s14, v1;
	v1 =	vld [tilespmem:$0x1FB80];
	_ =	sdelay $0x4  }
0xfe: {  	[tilespmem:v40+s10+$0x0] =	vst.idx.msk $0xffff, v1;
	v1 =	vld [tilespmem:$0x1FF20];
	_ =	sdelay $0x4  }
0xff: {  	v53 =	vadd.s32 s14, v1;
	v1 =	vld [tilespmem:$0x1FF30];
	_ =	sdelay $0x4  }
0x100: {  	v54 =	vadd.s32 s14, v1;
	v1 =	vld [tilespmem:$0x1FB90];
	_ =	sdelay $0x4  }
0x101: {  	[tilespmem:v16+s10+$0x0] =	vst.idx.msk $0xffff, v1;
	v1 =	vld [tilespmem:$0x1FF40];
	_ =	sdelay $0x4  }
0x102: {  	v34 =	vadd.s32 s14, v1;
	v1 =	vld [tilespmem:$0x1FF50];
	_ =	sdelay $0x2  }
0x103: {  	v57 =	vmul.f32 $7.071067690e-01, v49;
	v58 =	vmul.f32 $7.071067690e-01, v17;
	_ =	sdelay $0x1  }
0x104: {  	v40 =	vsub.f32 v57, v58;
	v57 =	vadd.s32 s14, v1;
	v1 =	vld [tilespmem:$0x1FBA0];
	_ =	sdelay $0x4  }
0x105: {  	[tilespmem:v25+s10+$0x0] =	vst.idx.msk $0xffff, v1;
	v1 =	vld [tilespmem:$0x1FBB0];
	_ =	sdelay $0x4  }
0x106: {  	[tilespmem:v56+s10+$0x0] =	vst.idx.msk $0xffff, v1;
	v1 =	vld [tilespmem:$0x1FBC0];
	_ =	sdelay $0x4  }
0x107: {  	[tilespmem:v35+s10+$0x0] =	vst.idx.msk $0xffff, v1;
	v1 =	vld [tilespmem:$0x1FBD0];
	_ =	sdelay $0x4  }
0x108: {  	[tilespmem:v41+s10+$0x0] =	vst.idx.msk $0xffff, v1;
	v1 =	vld [tilespmem:$0x1FBE0];
	_ =	sdelay $0x4  }
0x109: {  	[tilespmem:v8+s10+$0x0] =	vst.idx.msk $0xffff, v1;
	v1 =	vld [tilespmem:$0x1FBF0];
	_ =	sdelay $0x4  }
0x10a: {  	[tilespmem:v5+s10+$0x0] =	vst.idx.msk $0xffff, v1;
	v1 =	vld [tilespmem:$0x1FC00];
	_ =	sdelay $0x3  }
0x10b: {  	[tilespmem:v45+s10+$0x0] =	vst.idx.msk $0xffff, v0  }
0x10c: {  	[tilespmem:v53+s10+$0x0] =	vst.idx.msk $0xffff, v1;
	v1 =	vld [tilespmem:$0x1FC10];
	_ =	sdelay $0x4  }
0x10d: {  	[tilespmem:v54+s10+$0x0] =	vst.idx.msk $0xffff, v1;
	v1 =	vld [tilespmem:$0x1FC20];
	_ =	sdelay $0x3  }
0x10e: {  	v16 =	vadd.s32 $0x3F, v52  }
0x10f: {  	v56 =	vadd.s32 s14, v16;
	[tilespmem:v34+s10+$0x0] =	vst.idx.msk $0xffff, v1;
	v1 =	vld [tilespmem:$0x1FC30];
	_ =	sdelay $0x2  }
0x110: {  	v6 =	vmul.f32 v6, v10;
	v25 =	vadd.s32 $0x40, v52  }
0x111: {  	v12 =	vmul.f32 v12, v2;
	v58 =	vmovc v29;
	v29 =	vadd.s32 $0x2, v52;
	v51 =	vadd.s32 s14, v25;
	[tilespmem:v57+s10+$0x0] =	vst.idx.msk $0xffff, v36  }
0x112: {  	v6 =	vmul.f32 $-7.071067690e-01, v6;
	v33 =	vadd.s32 s14, v29;
	[tilespmem:v56+s10+$0x0] =	vst.idx.msk $0xffff, v1;
	v1 =	vld [tilespmem:$0x1FC40]  }
0x113: {  	v12 =	vmul.f32 $7.071067690e-01, v12;
	v3 =	vmul.f32 v3, v2  }
0x114: {  	v19 =	vmul.f32 $4.780914490e-01, v19;
	v18 =	vmul.f32 $1.195228620e-01, v18  }
0x115: {  	v23 =	vmul.f32 $4.629100560e-01, v23;
	v13 =	vmul.f32 $4.780914490e-01, v13  }
0x116: {  	v11 =	vmul.f32 v4, v11;
	v4 =	vmul.f32 v4, v10;
	v10 =	vadd.s32 $0x12, v52;
	[tilespmem:v51+s10+$0x0] =	vst.idx.msk $0xffff, v3  }
0x117: {  	v22 =	vmul.f32 $6.546536680e-01, v22;
	v14 =	vmul.f32 $1.195228620e-01, v14;
	v0 =	vadd.s32 s14, v10;
	[tilespmem:v33+s10+$0x0] =	vst.idx.msk $0xffff, v1;
	v1 =	vld [tilespmem:$0x1FC50]  }
0x118: {  	v21 =	vmul.f32 $-2.672612370e-01, v21;
	v26 =	vmul.f32 $2.672612370e-01, v26  }
0x119: {  	v11 =	vmul.f32 $7.071067690e-01, v11;
	v7 =	vmul.f32 v63, v7  }
0x11a: {  	v41 =	vmul.f32 $4.629100560e-01, v44;
	v44 =	vmul.f32 $7.559289330e-01, v31  }
0x11b: {  	v8 =	vadd.f32 v11, v6;
	v6 =	vsub.f32 v6, v11;
	v11 =	vadd.s32 $0x13, v52  }
0x11c: {  	v5 =	vadd.s32 $0x14, v52;
	v10 =	vadd.s32 s14, v11;
	v45 =	vadd.s32 $0x2E, v52;
	[tilespmem:v0+s10+$0x0] =	vst.idx.msk $0xffff, v1;
	v1 =	vld [tilespmem:$0x1FC60]  }
0x11d: {  	v7 =	vmul.f32 $-7.071067690e-01, v7;
	v5 =	vadd.s32 s14, v5;
	v25 =	vadd.s32 s14, v45;
	v45 =	vld [tilespmem:$0x1FC70]  }
0x11e: {  	v29 =	vadd.s32 $0x30, v52;
	v16 =	vadd.s32 $0x2F, v52;
	v11 =	vadd.f32 v44, v41  }
0x11f: {  	v31 =	vmul.f32 $6.546536680e-01, v38;
	v41 =	vadd.s32 $0x41, v52;
	v34 =	vadd.s32 s14, v16  }
0x120: {  	v11 =	vadd.f32 v23, v11;
	v23 =	vadd.s32 s14, v29;
	v57 =	vmovc v30;
	v30 =	vadd.s32 $0x31, v52  }
0x121: {  	v44 =	vadd.s32 s14, v41;
	v35 =	vadd.s32 s14, v30;
	v3 =	vadd.s32 $0x32, v52;
	[tilespmem:v10+s10+$0x0] =	vst.idx.msk $0xffff, v1  }
0x122: {  	v53 =	vmul.f32 $-2.672612370e-01, v46;
	v54 =	vmul.f32 $6.546536680e-01, v48;
	v3 =	vadd.s32 s14, v3;
	[tilespmem:v5+s10+$0x0] =	vst.idx.msk $0xffff, v45  }
0x123: {  	v46 =	vadd.s32 $0x44, v52;
	v48 =	vadd.s32 $0x45, v52;
	v0 =	vadd.s32 $0x42, v52;
	[tilespmem:v25+s10+$0x0] =	vst.idx.msk $0xffff, v28  }
0x124: {  	v32 =	vsub.f32 v53, v54;
	v0 =	vadd.s32 s14, v0;
	v10 =	vadd.s32 $0x43, v52;
	[tilespmem:v34+s10+$0x0] =	vst.idx.msk $0xffff, v55  }
0x125: {  	v51 =	vmul.f32 $7.171371570e-01, v37;
	v5 =	vadd.s32 s14, v10;
	v10 =	vadd.f32 v19, v18;
	[tilespmem:v23+s10+$0x0] =	vst.idx.msk $0xffff, v15  }
0x126: {  	v53 =	vadd.s32 $0x47, v52;
	v32 =	vsub.f32 v32, v31;
	v18 =	vadd.s32 s14, v46;
	[tilespmem:v35+s10+$0x0] =	vst.idx.msk $0xffff, v50  }
0x127: {  	v19 =	vadd.s32 s14, v48;
	v10 =	vadd.f32 v51, v10;
	v15 =	vadd.s32 $0x46, v52;
	[tilespmem:v3+s10+$0x0] =	vst.idx.msk $0xffff, v39  }
0x128: {  	v1 =	vsub.f32 v32, v26;
	v15 =	vadd.s32 s14, v15;
	[tilespmem:v44+s10+$0x0] =	vst.idx.msk $0xffff, v8;
	v8 =	vadd.s32 $0x48, v52  }
0x129: {  	v23 =	vadd.s32 s14, v53;
	[tilespmem:v0+s10+$0x0] =	vst.idx.msk $0xffff, v42;
	v0 =	vadd.s32 s14, v8;
	v8 =	vadd.f32 v13, v10  }
0x12a: {  	v10 =	vadd.s32 $0x49, v52;
	v13 =	vadd.s32 $0x4A, v52;
	[tilespmem:v5+s10+$0x0] =	vst.idx.msk $0xffff, v43;
	v5 =	vsub.f32 v21, v22  }
0x12b: {  	[tilespmem:v18+s10+$0x0] =	vst.idx.msk $0xffff, v9;
	v9 =	vadd.s32 s14, v10;
	v10 =	vadd.s32 s14, v13;
	v13 =	vmul.f32 $6.546536680e-01, v27  }
0x12c: {  	v54 =	vadd.s32 $0x4B, v52;
	v3 =	vadd.f32 v12, v7;
	v8 =	vadd.f32 v14, v8;
	[tilespmem:v19+s10+$0x0] =	vst.idx.msk $0xffff, v20  }
0x12d: {  	v14 =	vadd.s32 $0x4C, v52;
	[tilespmem:v15+s10+$0x0] =	vst.idx.msk $0xffff, v40;
	v5 =	vsub.f32 v5, v13;
	v13 =	vadd.s32 s14, v54  }
0x12e: {  	v55 =	vmul.f32 $7.559289330e-01, v47;
	v14 =	vadd.s32 s14, v14;
	v15 =	vmul.f32 $4.629100560e-01, v49;
	[tilespmem:v23+s10+$0x0] =	vst.idx.msk $0xffff, v3  }
0x12f: {  	v3 =	vadd.s32 $0x4D, v52;
	[tilespmem:v0+s10+$0x0] =	vst.idx.msk $0xffff, v4;
	v0 =	vmul.f32 $2.672612370e-01, v24;
	v4 =	vadd.s32 $0x4E, v52  }
0x130: {  	v3 =	vadd.s32 s14, v3;
	[tilespmem:v9+s10+$0x0] =	vst.idx.msk $0xffff, v6;
	v6 =	vadd.f32 v55, v15;
	v4 =	vadd.s32 s14, v4  }
0x131: {  	v56 =	vld [tilespmem:$0x1FFF0];
	v9 =	vadd.s32 $0x4F, v52;
	[tilespmem:v10+s10+$0x0] =	vst.idx.msk $0xffff, v11;
	v10 =	vmul.f32 $4.629100560e-01, v17;
	v11 =	vadd.s32 $0x50, v52  }
0x132: {  	v9 =	vadd.s32 s14, v9;
	[tilespmem:v13+s10+$0x0] =	vst.idx.msk $0xffff, v1;
	v1 =	vadd.s32 s14, v11;
	v11 =	vld [tilespmem:$0x1FFE0]  }
0x133: {  	p0 =	sne.s32 s15, $0x1B90;
	v0 =	vsub.f32 v5, v0;
	v5 =	vadd.f32 v10, v6;
	v10 =	vld [tilespmem:$0x1FFD0]  }
.Ltmp0:
0x134: {  	[tilespmem:v14+s10+$0x0] =	vst.idx.msk $0xffff, v8;
	v6 =	vld [tilespmem:$0x1FFA0];
	(pc) =	sbr.rel @p0 .LBB2_3-.Ltmp0, $4  }
0x135: {  	[tilespmem:v3+s10+$0x0] =	vst.idx.msk $0xffff, v0;
	v3 =	vld [tilespmem:$0x1FF80];
	v0 =	vsub.f32 v7, v12  }
0x136: {  	v2 =	vmul.f32 v63, v2;
	v7 =	vld [tilespmem:$0x1FFC0];
	[tilespmem:v4+s10+$0x0] =	vst.idx.msk $0xffff, v5  }
0x137: {  	v12 =	vld [tilespmem:$0x1FFB0];
	[tilespmem:v9+s10+$0x0] =	vst.idx.msk $0xffff, v0  }
0x138: {  	s15 =	sadd.s32 $0x90, s15;
	s14 =	sadd.s32 $0x510, s14;
	[tilespmem:v1+s10+$0x0] =	vst.idx.msk $0xffff, v2;
	v1 =	vld [tilespmem:$0x1FF60]  }
0x139: {  	s13 =	smul.u32 $0x51, s13  }
0x13a: {  	s12 =	sadd.s32 $0x1, s12  }
0x13b: {  	p0 =	sne.s32 s12, $0x19;
	s13 =	sshrl.u32 s13, $0x3  }
.Ltmp1:
0x13c: {  	s13 =	sadd.s32 s1, s13;
	(pc) =	sbr.rel @p0 .LBB2_2-.Ltmp1, $4  }
0x13d: {  	[hbm4b:s13+s2] =	stream.linear.scatter [tilespmem:s10], [sflag:$0x1], $0xFD20, $0x38;
	[tilespmem:$0x13680] =	vst v63  }
0x13e: {  	_ =	swait.ge [sflag:s8], $0xFD20  }
0x13f: {  	[sflag:s8] =	ssyncset.done $0x0  }
0x140: {  	[sflag:s8] =	ssyncadd.s32 $0xFFFF02E0  }
0x141: {  	s11 =	sadd.s32 $0x1, s11  }
0x142: {  	p0 =	sne.s32 s11, s7  }
.Ltmp2:
0x143: {  	_ = 	snop;
	(pc) =	sbr.rel @p0 .LBB2_1-.Ltmp2, $1  }
0x144: {  	_ =	sdelay $0x3  }
0x145: {  	_ =	sfence.sel $0x180000  }
0x146: {  	[bflag:$0x0] =	sbarrier.arrive $0xFFFF  }
0x147: {  	p0 =	sne.s32 s3, $0x0;
	_ =	strace $0x90000047  }
0x148: {  	s0 =	sadd.s32 @!p0 $0x100000, s0;
	[bflag:$0x2] =	sbarrier.arrive $0xFFFF  }
0x149: {  	[sflag:s0] =	ssyncadd.tile.s32 @!p0 $0x1;
	_ =	shalt  }
.Lfunc_end2:
_tile_overlayer_lowered:
.L_overlay_start_2:
0x14a: {  	(tag) =	ssettag $0x2  }
0x14b: {  	s0 =	rddreg [dreg:$0x0];
	s2 =	stileid.u32  }
0x14c: {  	s1 =	rddreg [dreg:$0x1];
	p0 =	sne.s32 s2, $0x0  }
0x14d: {  	s3 =	rddreg [dreg:$0x2];
	[bflag:$0x3] =	sbarrier.arrive $0xFFFF;
	s2 =	simm.s32 @!p0 $0x1C01  }
0x14e: {  	[timem:s3], [sflag:s2] =	dma.local @!p0 [hbm:s0], s1  }
0x14f: {  	s0 =	simm.s32 @!p0 $0x1  }
0x150: {  	_ =	swait.ge @!p0 [sflag:s0], s1  }
0x151: {  	s1 =	ssub.s32 @!p0 $0x0, s1;
	[sflag:s0] =	ssyncset.done @!p0 $0x0  }
0x152: {  	[sflag:s0] =	ssyncadd.s32 @!p0 s1  }
0x153: {  	[bflag:$0x3] =	sbarrier.arrive $0xFFFF  }
0x154: {  	_ =	shalt  }

// kernel: sparse-core-data-format-call.cloned.1.call-start
scs
called_computation_lowered:
.L_overlay_start_0:
0x0: {  	s2 =	sld [smem:$0x3FD9]  }
0x1: {  	s3 =	sld [smem:$0x3FFE];
	_ =	sdelay $0x1  }
0x2: {  	s1 =	srdreg.scid  }
0x3: {  	s0 =	sand.u32 $0x1, s1  }
0x4: {  	s18 =	sshll.u32 s0, $0xA;
	s2 =	sadd.s32 s3, s2  }
0x5: {  	s2 =	sadd.s32 s2, s18  }
0x6: {  	[smem:$0x3FC6] =	sst s2  }
0x7: {  	_ = 	snop  }
0x8: {  	s2 =	sld [smem:$0x3FD0];
	(tm) =	ssettm $0x1  }
0x9: {  	s19 =	sld [smem:$0x3FFB];
	_ =	sdelay $0x3  }
0xa: {  	_ =	strace s19  }
0xb: {  	s3 =	sld [smem:$0x3FFC];
	_ =	sdelay $0x3  }
0xc: {  	_ =	strace s3  }
0xd: {  	s3 =	sld [smem:$0x3FFD];
	_ =	sdelay $0x3  }
0xe: {  	_ =	strace s3  }
0xf: {  	_ =	strace $0x8FFFFFFF  }
0x10: {  	s20 =	sld [smem:$0x3FDB];
	_ =	sdelay $0x1  }
0x11: {  	s4 =	simm.s32 $_scs_section_size  }
0x12: {  	s5 =	simm.s32 $_size__tile_overlayer_lowered;
	s6 =	simm.s32 $_tile_overlayer_lowered  }
0x13: {  	s23 =	simm.s32 $0x1BFF;
	s22 =	sshll.u32 s6, $0x1;
	s3 =	sadd.s32 s4, s20  }
0x14: {  	s7 =	simm.s32 $0x0;
	s21 =	sshll.u32 s5, $0x1;
	s5 =	sadd.s32 s22, s3  }
0x15: {  	[timem:s7], [sflag:s23] =	dma.local [hbm:s5], s21  }
0x16: {  	_ =	swait.ge [sflag:s23], s21  }
0x17: {  	s4 =	ssub.s32 $0x0, s21;
	[sflag:s23] =	ssyncset.done $0x0  }
0x18: {  	[sflag:s23] =	ssyncadd.s32 s4;
	_ =	sdelay $0x1  }
0x19: {  	s24 =	simm.s32 $0x1B8B  }
0x1a: {  	_ =	swait.ge [sflag:s24], $0x1  }
0x1b: {  	[sflag:s24] =	ssyncset.done $0x0  }
0x1c: {  	s26 =	simm.s32 $0x1B8E;
	s25 =	sld [smem:$0x3FFE];
	[sflag:s24] =	ssyncadd.s32 $0xFFFFFFFF  }
0x1d: {  	s27 =	simm.s32 $execute0_lowered;
	[smem:$0x3FD2] =	sst s26  }
0x1e: {  	s5 =	sshll.u32 s27, $0x1;
	_ =	strace $0x80000049;
	[dreg:$0x1] =	wrdreg $0xFFFFFFFF  }
0x1f: {  	s28 =	simm.s32 $_size_execute0_lowered;
	s3 =	sadd.s32 s3, s5;
	[dreg:$0x0] =	wrdreg $0x0  }
0x20: {  	s5 =	sshll.u32 s28, $0x1;
	[dreg:$0x2] =	wrdreg s3  }
0x21: {  	[dreg:$0x3] =	wrdreg s5  }
0x22: {  	[dreg:$0x4] =	wrdreg $0xC0  }
0x23: {  	_ =	task [dreg:s7], $0x5FFFF  }
0x24: {  	[dreg:$0x1] =	wrdreg $0xFFFFFFFF  }
0x25: {  	[dreg:$0x0] =	wrdreg $0x60  }
0x26: {  	[dreg:$0x2] =	wrdreg s25  }
0x27: {  	[dreg:$0x3] =	wrdreg s2  }
0x28: {  	[dreg:$0x4] =	wrdreg $0x9  }
0x29: {  	_ =	task.clear_ibuf [dreg:s7], $0x5FFFF;
	_ =	strace $0x90000049  }
0x2a: {  	s29 =	simm.s32 $0x9;
	_ =	strace $0x8000004B  }
0x2b: {  	_ =	swait.ge [sflag:s29], $0x1  }
0x2c: {  	[sflag:s29] =	ssyncadd.s32 $0xFFFFFFFF  }
0x2d: {  	_ =	strace $0x9000004B  }
0x2e: {  	_ =	sfence  }
0x2f: {  	s30 =	sld [smem:$0x0];
	_ =	sdelay $0x2  }
0x30: {  	s31 =	sshll.u32 s1, $0xD;
	s1 =	sshrl.u32 s1, $0x2  }
0x31: {  	s3 =	sand.u32 $0x4000, s31;
	s1 =	sadd.s32 s1, s30  }
0x32: {  	s0 =	sor.u32 s3, s0;
	s1 =	sshll.u32 s1, $0x11  }
0x33: {  	s0 =	sor.u32 s1, s0  }
0x34: {  	s0 =	sadd.s32 $0x8F2B, s0  }
0x35: {  	[sflag:s0] =	ssyncadd.remote.s32 $0x1  }
0x36: {  	_ =	sfence.sel $0xFFFF  }
0x37: {  	[dreg:$0x0] =	wrdreg $0xFFFFFFFF;
	(pc) =	sbr.abs _section_cstart, $3  }
0x38: {  	[dreg:$0x1] =	wrdreg $0xFFFFFFFF  }
0x39: {  	_ =	task.clear_ibuf [dreg:s7], $0x2FFFF;
	_ =	strace $0x9FFFFFFF  }
0x3a: {  	(tm) =	ssettm $0x7FFFFFFF  }
0x3b: {  	_ =	shalt  }
tec
execute0_lowered:
.L_overlay_start_1:
0x0: {  	(tag) =	ssettag $0x1  }
0x1: {  	s0 =	srdreg.scid  }
0x2: {  	s5 =	rddreg [dreg:$0x0];
	s1 =	sshll.u32 s0, $0x4  }
0x3: {  	s2 =	rddreg [dreg:$0x1];
	s0 =	stileid.u32;
	s1 =	sand.u32 $0x10, s1  }
0x4: {  	s4 =	simm.s32 $0x1;
	s8 =	simm.s32 $0x2;
	s1 =	sor.u32 s0, s1  }
0x5: {  	s12 =	simm.s32 $0x0;
	s9 =	simm.s32 $0x0;
	s3 =	sshll.u32 s1, $0x7  }
0x6: {  	s11 =	simm.s32 $0x0;
	s5 =	sadd.s32 $0x800, s5;
	s6 =	ssub.s32 $0x9C400, s3  }
.Ltmp0:
0x7: {  	s1 =	rddreg [dreg:$0x2];
	s7 =	sand.u32 $0xF80, s6;
	(pc) =	sbr.rel .LBB1_1-.Ltmp0, $4  }
0x8: {  	_ =	strace $0x8000004A;
	p0 =	sne.s32 s7, $0x0;
	s7 =	simm.s32 $0x1  }
0x9: {  	[sflag:s4] =	ssyncpa.u1 $0x0;
	s6 =	sshrl.u32 s6, $0xC;
	s7 =	simm.s32 @!p0 $0x0  }
0xa: {  	s10 =	smov.u32 s3;
	[sflag:s8] =	ssyncpa.u1 $0x0;
	s6 =	sadd.s32 s7, s6  }
0xb: {  	s8 =	simm.s32 $0x4E2000;
	p0 =	por $0x0, $0x0;
	s7 =	sadd.s32 $0x1, s6  }
.LBB1_4:
0xc: {  	s18 =	sshll.u32 s9, $0x3  }
0xd: {  	s19 =	sand.u32 $0x7F, s9;
	s20 =	sand.u32 $0xFFFFFC00, s18;
	s18 =	smulhi.u32 $0xD1B71759, s18  }
0xe: {  	v5 =	vld [tilespmem:s14+$0xFFFFFFD0];
	[tilespmem:s16+$0x2040 ss:$0x81] =	vst.msk $0xffff, v3;
	s19 =	sor.u32 s19, s20  }
0xf: {  	v58 =	vld [tilespmem:s14+$0xFFFFFFE0];
	[tilespmem:s16+$0x2850 ss:$0x81] =	vst.msk $0xffff, v4;
	s20 =	smulhi.u32 $0xD1B71759, s19;
	s18 =	sshrl.u32 s18, $0x13  }
0x10: {  	s17 =	sshra.s32 s17, $0x2;
	v59 =	vld [tilespmem:s14+$0xFFFFFFF0];
	[tilespmem:s16+$0x3060 ss:$0x81] =	vst.msk $0xffff, v2;
	p1 =	sgt.s32 s9, $0x9C380;
	s21 =	smul.u32 $0xBA3, s18  }
0x11: {  	v60 =	vld [tilespmem:s14+$0x0];
	[tilespmem:s16+$0x0 ss:$0x81] =	vst.msk $0xffff, v0;
	s26 =	sshra.s32 s9, $0x1F;
	s15 =	sadd.s32 s17, s15;
	s20 =	sshrl.u32 s20, $0x13  }
0x12: {  	v61 =	vld [tilespmem:s14+$0x10];
	[tilespmem:s15+$0x3870 ss:$0x81] =	vst.msk $0xffff, v1;
	s24 =	smul.u32 $0x9C400, s20;
	s25 =	sshrl.u32 s21, $0x12;
	s20 =	smov.u32 s9  }
0x13: {  	v62 =	vld [tilespmem:s14+$0x20];
	[tilespmem:s15+$0x810 ss:$0x81] =	vst.msk $0xffff, v5;
	s21 =	sand.u32 s26, s9;
	s17 =	smul.u32 $0x58, s25;
	s20 =	simm.s32 @!p1 $0x9C380  }
0x14: {  	v63 =	vld [tilespmem:s14+$0xFFFFFFC0];
	[tilespmem:s15+$0x1020 ss:$0x81] =	vst.msk $0xffff, v58;
	s27 =	ssub.s32 s19, s24;
	s28 =	ssub.s32 s20, s21  }
0x15: {  	[tilespmem:s15+$0x1830 ss:$0x81] =	vst.msk $0xffff, v59;
	s17 =	ssub.s32 s18, s17;
	s29 =	sadd.s32 $0xFFF63C80, s28;
	s16 =	ssub.s32 $0x9C400, s28  }
0x16: {  	[tilespmem:s15+$0x2040 ss:$0x81] =	vst.msk $0xffff, v60;
	s30 =	sshrl.u32 s27, $0x3;
	s17 =	sand.u32 $0xFFFF, s17;
	s16 =	smul.u32 $0x160, s16  }
0x17: {  	[tilespmem:s15+$0x2850 ss:$0x81] =	vst.msk $0xffff, v61;
	s14 =	sand.u32 $0x7, s27;
	p1 =	sgt.s32 s29, $0x7F;
	s17 =	smul.u32 $0x13880, s17  }
0x18: {  	[tilespmem:s15+$0x3060 ss:$0x81] =	vst.msk $0xffff, v62;
	s18 =	sadd.s32 s2, s30;
	s14 =	sshll.u32 s14, $0x12;
	s16 =	sshrl.u32 s16, $0x2  }
0x19: {  	[tilespmem:s15+$0x0 ss:$0x81] =	vst.msk $0xffff, v63;
	s14 =	sor.u32 $0x400, s14;
	s16 =	simm.s32 @p1 $0x0;
	s31 =	sadd.s32 s17, s18  }
0x1a: {  	[hbm4b:s31+s14] =	stream.strided.scatter [tilespmem:s13], [sflag:$0x2], s16, s8, s14, $0x20;
	[tilespmem:$0x10100] =	vst v63  }
.LBB1_5:
0x1b: {  	p1 =	slt.u32 s11, $0x2  }
0x1c: {  	p2 =	sgt.s32 @!p1 s12, $0x9C380  }
0x1d: {  	s13 =	smov.u32 s12;
	s14 =	sshra.s32 @!p1 s12, $0x1F;
	p2 =	por !p2, p1  }
0x1e: {  	s12 =	sand.u32 @!p1 s14, s12;
	s13 =	simm.s32 @p2 $0x9C380  }
0x1f: {  	s12 =	ssub.s32 @!p1 s13, s12  }
0x20: {  	s13 =	ssub.s32 @!p1 $0x9C400, s12  }
0x21: {  	s12 =	sadd.s32 @!p1 $0xFFF63C80, s12;
	s13 =	smul.u32 @!p1 $0x160, s13  }
0x22: {  	p2 =	sgt.s32 @!p1 s12, $0x7F  }
0x23: {  	s14 =	sadd.s32 $0x1000, s10;
	p2 =	por !p2, p1;
	s12 =	sshrl.u32 @!p1 s13, $0x2  }
0x24: {  	s12 =	simm.s32 @!p2 $0x0;
	p2 =	sgt.s32 s14, $0x9C3FF  }
0x25: {  	s14 =	smov.u32 @p2 s3;
	p2 =	sne.s32 s11, s7  }
.Ltmp1:
0x26: {  	_ = 	snop;
	(pc) =	sbr.rel @!p2 .LBB1_6-.Ltmp1, $4  }
0x27: {  	s13 =	simm.s32 @!p1 $0x2  }
0x28: {  	p0 =	por !p0, !p0;
	_ =	swait.ge @!p1 [sflag:s13], s12;
	s15 =	ssub.s32 @!p1 $0x0, s12  }
0x29: {  	s12 =	smov.u32 s9;
	s11 =	sadd.s32 $0x1, s11;
	[sflag:s13] =	ssyncset.done @!p1 $0x0  }
0x2a: {  	s9 =	smov.u32 s10;
	s10 =	smov.u32 s14;
	[sflag:s13] =	ssyncadd.s32 @!p1 s15  }
.LBB1_1:
0x2b: {  	p1 =	sge.u32 s11, s6  }
0x2c: {  	s13 =	sand.u32 @!p1 $0x1FFFFFF, s10  }
0x2d: {  	s14 =	smulhi.u32 @!p1 $0x1A36E2F, s13;
	_ =	sdelay $0x1  }
0x2e: {  	s14 =	sshrl.u32 @!p1 s14, $0xC  }
0x2f: {  	s14 =	smul.u32 @!p1 $0x9C400, s14;
	_ =	sdelay $0x1  }
0x30: {  	s15 =	sxor.u32 @!p1 $0xFFFFFFFF, s11;
	s13 =	ssub.s32 @!p1 s13, s14  }
0x31: {  	s31 =	sadd.s32 $0xFFFFFFFF, s11;
	s14 =	sshll.u32 @!p1 s15, $0xE;
	s13 =	sshll.u32 @!p1 s13, $0x4  }
0x32: {  	s15 =	simm.s32 @!p1 $0x0;
	s14 =	sand.u32 @!p1 $0x4000, s14;
	s13 =	sadd.s32 @!p1 s5, s13  }
0x33: {  	[tilespmem:s14], [sflag:$0x1] =	stream.linear.gather @!p1 [hbm4b:s13+s15], $0x4000, $0x38;
	[tilespmem:$0x10100] =	vst v63  }
0x34: {  	p1 =	sge.u32 s31, s6  }
.Ltmp2:
0x35: {  	_ = 	snop;
	(pc) =	sbr.rel @p1 .LBB1_5-.Ltmp2, $1  }
0x36: {  	_ =	sdelay $0x3  }
0x37: {  	s13 =	simm.s32 $0x1  }
0x38: {  	_ =	swait.ge [sflag:s4], $0x4000;
	s13 =	simm.s32 @!p0 $0x0  }
0x39: {  	[sflag:s4] =	ssyncset.done $0x0;
	s14 =	sshll.u32 s13, $0xE  }
0x3a: {  	[sflag:s4] =	ssyncadd.s32 $0xFFFFC000;
	s14 =	sor.u32 $0x40, s14  }
0x3b: {  	s13 =	smul.u32 $0x10200, s13;
	v0 =	vld [tilespmem:s14+$0x30]  }
0x3c: {  	v1 =	vld [tilespmem:s14+$0xFFFFFFD0]  }
0x3d: {  	s13 =	sshrl.u32 s13, $0x2;
	v5 =	vld [tilespmem:s14+$0xFFFFFFE0]  }
0x3e: {  	v6 =	vld [tilespmem:s14+$0xFFFFFFF0];
	s15 =	sor.u32 $0x8000, s13  }
0x3f: {  	s31 =	sand.u32 $0x1, s11;
	v3 =	vld [tilespmem:s14+$0x0];
	s16 =	sadd.s32 $0x0, s15  }
0x40: {  	v4 =	vld [tilespmem:s14+$0x10];
	s13 =	smul.u32 $0x10200, s31;
	[tilespmem:s16+$0x3870 ss:$0x81] =	vst.msk $0xffff, v0  }
0x41: {  	v2 =	vld [tilespmem:s14+$0x20];
	[tilespmem:s16+$0x810 ss:$0x81] =	vst.msk $0xffff, v1  }
0x42: {  	s13 =	sshrl.u32 s13, $0x2;
	v0 =	vld [tilespmem:s14+$0xFFFFFFC0];
	[tilespmem:s16+$0x1020 ss:$0x81] =	vst.msk $0xffff, v5;
	s14 =	sadd.s32 $0x80, s14  }
0x43: {  	s17 =	simm.s32 $0x4;
	s18 =	simm.s32 $0x8;
	s13 =	sor.u32 $0x8000, s13;
	[tilespmem:s16+$0x1830 ss:$0x81] =	vst.msk $0xffff, v6;
	v1 =	vld [tilespmem:s14+$0x30]  }
.LBB1_3:
0x44: {  	p1 =	sne.s32 s18, $0x1FC;
	v5 =	vld [tilespmem:s14+$0xFFFFFFD0];
	[tilespmem:s16+$0x2040 ss:$0x81] =	vst.msk $0xffff, v3  }
0x45: {  	v6 =	vld [tilespmem:s14+$0xFFFFFFE0];
	[tilespmem:s16+$0x2850 ss:$0x81] =	vst.msk $0xffff, v4  }
0x46: {  	s19 =	sshra.s32 s17, $0x2;
	s17 =	smov.u32 s18;
	v7 =	vld [tilespmem:s14+$0xFFFFFFF0];
	[tilespmem:s16+$0x3060 ss:$0x81] =	vst.msk $0xffff, v2  }
.Ltmp3:
0x47: {  	v3 =	vld [tilespmem:s14+$0x0];
	[tilespmem:s16+$0x0 ss:$0x81] =	vst.msk $0xffff, v0;
	s16 =	sadd.s32 s19, s15;
	(pc) =	sbr.rel @p1 .LBB1_3-.Ltmp3, $4  }
0x48: {  	v4 =	vld [tilespmem:s14+$0x10];
	[tilespmem:s16+$0x3870 ss:$0x81] =	vst.msk $0xffff, v1  }
0x49: {  	[tilespmem:s16+$0x810 ss:$0x81] =	vst.msk $0xffff, v5;
	v2 =	vld [tilespmem:s14+$0x20]  }
0x4a: {  	v0 =	vld [tilespmem:s14+$0xFFFFFFC0];
	[tilespmem:s16+$0x1020 ss:$0x81] =	vst.msk $0xffff, v6;
	s14 =	sadd.s32 $0x80, s14  }
0x4b: {  	s18 =	sadd.s32 $0x4, s18;
	v1 =	vld [tilespmem:s14+$0x30];
	[tilespmem:s16+$0x1830 ss:$0x81] =	vst.msk $0xffff, v7  }
.Ltmp4:
0x4c: {  	_ = 	snop;
	(pc) =	sbr.rel .LBB1_4-.Ltmp4, $1  }
0x4d: {  	_ =	sdelay $0x3  }
.LBB1_6:
0x4e: {  	_ =	sfence.sel $0x180000  }
0x4f: {  	s2 =	simm.s32 $0x1;
	[bflag:$0x0] =	sbarrier.arrive $0xFFFF  }
0x50: {  	s31 =	simm.s32 $0x2;
	[sflag:s2] =	ssyncpa.u1 $0x1  }
0x51: {  	[sflag:s31] =	ssyncpa.u1 $0x1  }
0x52: {  	p0 =	sne.s32 s0, $0x0;
	_ =	strace $0x9000004A  }
0x53: {  	s0 =	sadd.s32 @!p0 $0x100000, s1;
	[bflag:$0x2] =	sbarrier.arrive $0xFFFF  }
0x54: {  	[sflag:s0] =	ssyncadd.tile.s32 @!p0 $0x1;
	_ =	shalt  }
.Lfunc_end1:
_tile_overlayer_lowered:
.L_overlay_start_2:
0x55: {  	(tag) =	ssettag $0x2  }
0x56: {  	s0 =	rddreg [dreg:$0x0];
	s2 =	stileid.u32  }
0x57: {  	s1 =	rddreg [dreg:$0x1];
	p0 =	sne.s32 s2, $0x0  }
0x58: {  	s3 =	rddreg [dreg:$0x2];
	[bflag:$0x3] =	sbarrier.arrive $0xFFFF;
	s2 =	simm.s32 @!p0 $0x1C01  }
0x59: {  	[timem:s3], [sflag:s2] =	dma.local @!p0 [hbm:s0], s1  }
0x5a: {  	s0 =	simm.s32 @!p0 $0x1  }
0x5b: {  	_ =	swait.ge @!p0 [sflag:s0], s1  }
0x5c: {  	s1 =	ssub.s32 @!p0 $0x0, s1;
	[sflag:s0] =	ssyncset.done @!p0 $0x0  }
0x5d: {  	[sflag:s0] =	ssyncadd.s32 @!p0 s1  }
0x5e: {  	[bflag:$0x3] =	sbarrier.arrive $0xFFFF  }
0x5f: {  	_ =	shalt  }

</sc_bundles>
